<compile_context>
chip_gen: v7x
topology: tpu7x:2x2x1
jax: 0.10.2.dev20260603
libtpu: 0.0.44.dev20260713+nightly
codegen_flags: <defaults>
</compile_context>

<pallas_src>
import functools

import jax
import jax.numpy as jnp
from jax import lax
from jax.experimental import pallas as pl
from jax.experimental.pallas import tpu as pltpu
from jax.experimental.pallas import tpu_sc as plsc

_B, _NB, _T, _D, _K = 4, 96, 256, 64, 8192
_KC = 2048


def _mm(a, b):
    return lax.dot_general(a, b, (((1,), (0,)), ((), ())),
                           preferred_element_type=jnp.float32)


def _mm_t(a, b):
    return lax.dot_general(a, b, (((1,), (1,)), ((), ())),
                           preferred_element_type=jnp.float32)



def _conv1d(x, w, b):
    y = lax.conv_general_dilated(x, w, window_strides=(1,), padding='SAME',
                                 dimension_numbers=('NCH', 'OIH', 'NCH'))
    return y + b[None, :, None]


def _attn_blk(x, a):
    xt = jnp.transpose(x, (0, 2, 1))
    q = xt @ a['wq'] + a['bq']
    k = xt @ a['wk'] + a['bk']
    v = xt @ a['wv'] + a['bv']
    scale = jnp.sqrt(jnp.asarray(q.shape[-1], dtype=x.dtype))
    attn = jax.nn.softmax(q @ jnp.transpose(k, (0, 2, 1)) / scale, axis=-1)
    o = (attn @ v) @ a['wo'] + a['bo']
    return x + jnp.transpose(o, (0, 2, 1))


def _encode(x, p):
    z = x * p['w_proj'][None, :, None]
    for w, b in p['enc_conv']:
        z = jax.nn.relu(_conv1d(z, w, b))
    for a in p['enc_attn']:
        z = _attn_blk(z, a)
    return z



def _vq_body(zt_ref, emb_ref, e2_ref, idx_ref):
    f = zt_ref[0]
    f2 = jnp.sum(f * f, axis=1, keepdims=True)
    ids = lax.broadcasted_iota(jnp.int32, (_T, _KC), 1)

    def chunk(j, carry):
        bd, bi = carry
        e = emb_ref[pl.ds(j * _KC, _KC), :]
        g = _mm_t(f, e)
        e2 = e2_ref[0, pl.ds(j * _KC, _KC)][None, :]
        d = (f2 - 2.0 * g) + e2
        dmin = jnp.min(d, axis=1, keepdims=True)
        imin = jnp.min(jnp.where(d == dmin, ids, jnp.int32(2**31 - 1)),
                       axis=1, keepdims=True) + j * _KC
        better = dmin < bd
        return jnp.where(better, dmin, bd), jnp.where(better, imin, bi)

    bd0 = jnp.full((_T, 1), jnp.inf, jnp.float32)
    bi0 = jnp.zeros((_T, 1), jnp.int32)
    _, bi = lax.fori_loop(0, _K // _KC, chunk, (bd0, bi0))
    idx_ref[0] = bi



def _gather_sc(table, idx):
    dp = 128
    tablep = jnp.pad(table, ((0, 0), (0, dp - table.shape[1])))
    info = plsc.get_sparse_core_info()
    nw = info.num_cores * info.num_subcores
    bt = idx.shape[0]
    bpw = bt // nw
    nc = info.num_cores
    mesh = plsc.VectorSubcoreMesh(core_axis_name="c", subcore_axis_name="s")

    @functools.partial(
        pl.kernel, mesh=mesh,
        out_type=jax.ShapeDtypeStruct((bt, dp), jnp.float32),
        scratch_types=[
            pltpu.VMEM((bpw,), jnp.int32),
            pltpu.VMEM((bpw, dp), jnp.float32),
            pltpu.SemaphoreType.DMA,
        ],
    )
    def k(table_hbm, idx_hbm, out_hbm, idx_v, rows_v, sem):
        wid = lax.axis_index("s") * nc + lax.axis_index("c")
        base = wid * bpw
        pltpu.sync_copy(idx_hbm.at[pl.ds(base, bpw)], idx_v)
        pltpu.async_copy(table_hbm.at[idx_v], rows_v, sem).wait()
        pltpu.sync_copy(rows_v, out_hbm.at[pl.ds(base, bpw)])

    return k(tablep, idx)[:, :_D]



def _conv3(h, w0, w1, w2, b):
    zrow = jnp.zeros((1, h.shape[1]), h.dtype)
    prev = jnp.concatenate([zrow, h[:-1]], axis=0)
    nxt = jnp.concatenate([h[1:], zrow], axis=0)
    y = _mm(prev, w0) + _mm(h, w1) + _mm(nxt, w2) + b
    return jnp.maximum(y, 0.0)


def _attn(h, wq, bq, wk, bk, wv, bv, wo, bo):
    q = _mm(h, wq) + bq
    k = _mm(h, wk) + bk
    v = _mm(h, wv) + bv
    s = _mm_t(q, k) * (1.0 / 8.0)
    m = jnp.max(s, axis=1, keepdims=True)
    e = jnp.exp(s - m)
    a = e / jnp.sum(e, axis=1, keepdims=True)
    o = _mm(_mm(a, v), wo) + bo
    return h + o


def _dec_body(idx_sref, emb_ref,
              a0wq, a0bq, a0wk, a0bk, a0wv, a0bv, a0wo, a0bo,
              a1wq, a1bq, a1wk, a1bk, a1wv, a1bv, a1wo, a1bo,
              d1w0, d1w1, d1w2, d1b,
              d2w0, d2w1, d2w2, d2b,
              d3w0, d3w1, d3w2, d3b,
              rw_ref, rb_ref,
              out_ref, zq_scr):
    base = pl.program_id(0) * _T

    def g(t, c):
        zq_scr[pl.ds(t, 1), :] = emb_ref[pl.ds(idx_sref[base + t], 1), :]
        return c

    lax.fori_loop(0, _T, g, 0)
    h = zq_scr[...]
    h = _attn(h, a0wq[...], a0bq[...], a0wk[...], a0bk[...],
              a0wv[...], a0bv[...], a0wo[...], a0bo[...])
    h = _attn(h, a1wq[...], a1bq[...], a1wk[...], a1bk[...],
              a1wv[...], a1bv[...], a1wo[...], a1bo[...])
    h = _conv3(h, d1w0[...], d1w1[...], d1w2[...], d1b[...])
    h = _conv3(h, d2w0[...], d2w1[...], d2w2[...], d2b[...])
    h = _conv3(h, d3w0[...], d3w1[...], d3w2[...], d3b[...])
    out_ref[0] = _mm(h, rw_ref[...]) + rb_ref[...]


def _full_spec(arr):
    nd = arr.ndim
    return pl.BlockSpec(arr.shape, lambda b, *_, _nd=nd: (0,) * _nd)


def _attn_flat(a):
    return [a['wq'], a['bq'].reshape(1, -1), a['wk'], a['bk'].reshape(1, -1),
            a['wv'], a['bv'].reshape(1, -1), a['wo'], a['bo'].reshape(1, -1)]


def _conv_flat(wb):
    w, b = wb
    return [w[:, :, 0].T, w[:, :, 1].T, w[:, :, 2].T, b.reshape(1, -1)]


def kernel(x, params):
    p = params
    emb = p['emb']

    z = _encode(x, p)
    zt = jnp.transpose(z, (0, 2, 1))
    e2 = jnp.sum(emb**2, axis=1)[None, :]

    idx3 = pl.pallas_call(
        _vq_body,
        grid=(_B,),
        in_specs=[pl.BlockSpec((1, _T, _D), lambda b: (b, 0, 0)),
                  _full_spec(emb), _full_spec(e2)],
        out_specs=pl.BlockSpec((1, _T, 1), lambda b: (b, 0, 0)),
        out_shape=jax.ShapeDtypeStruct((_B, _T, 1), jnp.int32),
    )(zt, emb, e2)

    indices = idx3.reshape(_B, _T)
    idx_flat = idx3.reshape(-1)

    zq_flat = _gather_sc(emb, idx_flat)
    zq = jnp.transpose(zq_flat.reshape(_B, _T, _D), (0, 2, 1))

    dec_in = [emb]
    for a in p['dec_attn']:
        dec_in += _attn_flat(a)
    for wb in p['dec_conv']:
        dec_in += _conv_flat(wb)
    dec_in += [p['rw'], p['rb'].reshape(1, -1)]

    recont = pl.pallas_call(
        _dec_body,
        grid_spec=pltpu.PrefetchScalarGridSpec(
            num_scalar_prefetch=1,
            grid=(_B,),
            in_specs=[_full_spec(a) for a in dec_in],
            out_specs=pl.BlockSpec((1, _T, _NB), lambda b, *_: (b, 0, 0)),
            scratch_shapes=[pltpu.VMEM((_T, _D), jnp.float32)],
        ),
        out_shape=jax.ShapeDtypeStruct((_B, _T, _NB), jnp.float32),
    )(idx_flat, *dec_in)

    recon = jnp.transpose(recont, (0, 2, 1))
    return recon, z, zq, indices

# --- scband reference (transcript-rebuilt; emitter-appended) ---
"""Pipeline reference for scband-vqvae-45896020525586 (READ-ONLY COPY).

The authoritative reference and input builder live on the scoring server;
editing this copy changes nothing except your own understanding.
"""

import jax, jax.numpy as jnp
import numpy as np

B, NB, T, D, K = 4, 96, 256, 64, 8192


def conv1d(x, w, b):
    y = jax.lax.conv_general_dilated(x, w, window_strides=(1,), padding='SAME', dimension_numbers=('NCH', 'OIH', 'NCH'))
    return y + b[None, :, None]


def attn_block(x, a):
    xt = jnp.transpose(x, (0, 2, 1))
    q = xt @ a['wq'] + a['bq']
    k = xt @ a['wk'] + a['bk']
    v = xt @ a['wv'] + a['bv']
    scale = jnp.sqrt(jnp.asarray(q.shape[-1], dtype=x.dtype))
    attn = jax.nn.softmax(q @ jnp.transpose(k, (0, 2, 1)) / scale, axis=-1)
    o = (attn @ v) @ a['wo'] + a['bo']
    return x + jnp.transpose(o, (0, 2, 1))


def setup_inputs(seed: int = 0) -> dict:
    key = jax.random.key(seed)
    keys = jax.random.split(key, 100)
    c = iter(range(100))
    def p(shape, s=0.05):
        return jax.random.normal(keys[next(c)], shape, dtype=jnp.float32) * s
    def attn_params():
        return dict(wq=p((D, D)), bq=p((D,)), wk=p((D, D)), bk=p((D,)), wv=p((D, D)), bv=p((D,)), wo=p((D, D)), bo=p((D,)))
    params = dict(
        w_proj=p((NB,), 0.02) + 1.0,
        enc_conv=[(p((16, NB, 3)), p((16,))), (p((32, 16, 3)), p((32,))), (p((D, 32, 3)), p((D,)))],
        enc_attn=[attn_params(), attn_params()],
        emb=p((K, D), 1.0),
        dec_attn=[attn_params(), attn_params()],
        dec_conv=[(p((32, D, 3)), p((32,))), (p((16, 32, 3)), p((16,))), (p((NB, 16, 3)), p((NB,)))],
        rw=p((NB, NB)),
        rb=p((NB,)),
    )
    x = jax.random.normal(keys[next(c)], (B, NB, T), dtype=jnp.float32)
    return {"x": x, "params": params}


def _forward(x, params):
    # Encoder: WeightingLayer (per-channel scale) -> 3 conv FeatureBlocks -> 2 attention blocks
    z = x * params['w_proj'][None, :, None]
    for w, b in params['enc_conv']:
        z = jax.nn.relu(conv1d(z, w, b))
    for a in params['enc_attn']:
        z = attn_block(z, a)
    # Codebook: nearest-neighbor quantization (expanded L2 distance, same math as (x-W)^2 sum)
    Bz, Cz, Tz = z.shape
    flat = jnp.transpose(z, (0, 2, 1)).reshape(-1, Cz)
    emb = params['emb']
    dist = jnp.sum(flat ** 2, axis=1, keepdims=True) - 2.0 * (flat @ emb.T) + jnp.sum(emb ** 2, axis=1)[None, :]
    indices = jnp.argmin(dist, axis=1).reshape(Bz, Tz)
    zq = jnp.transpose(jnp.take(emb, indices, axis=0), (0, 2, 1))
    # Decoder: 2 attention blocks -> 3 reverse conv blocks -> refinement linear
    h = zq
    for a in params['dec_attn']:
        h = attn_block(h, a)
    for w, b in params['dec_conv']:
        h = jax.nn.relu(conv1d(h, w, b))
    recon = jnp.transpose(jnp.transpose(h, (0, 2, 1)) @ params['rw'] + params['rb'], (0, 2, 1))
    return recon, z, zq, indices


def reference(x, params):
    return _forward(x, params)

if __name__ == "__main__":
    import jax
    _d = setup_inputs()
    print(jax.jit(kernel)(*tuple(_d.values())))

</pallas_src>

<mosaic_0001>
#map = affine_map<(d0, d1) -> (0, 0)>
#map1 = affine_map<(d0, d1) -> (0)>
module attributes {stable_mosaic.version = 14 : i64} {
  func.func @k(%arg0: i32, %arg1: i32, %arg2: memref<8192x128xf32, #tpu.memory_space<hbm>>, %arg3: memref<1024xi32, #tpu.memory_space<hbm>>, %arg4: memref<1024x128xf32, #tpu.memory_space<hbm>>, %arg5: memref<32xi32, #tpu.memory_space<vmem>>, %arg6: memref<32x128xf32, #tpu.memory_space<vmem>>, %arg7: memref<!tpu.dma_semaphore, #tpu.memory_space<semaphore_mem>>) attributes {dimension_semantics = [#tpu.dimension_semantics<core_parallel>, #tpu.dimension_semantics<subcore_parallel>], iteration_bounds = array<i64: 2, 16>, scalar_prefetch = 0 : i64, scratch_operands = 3 : i64, tpu.core_type = #tpu.core_type<sc_vector_subcore>, window_params = [{transform_indices = #map}, {transform_indices = #map1}, {transform_indices = #map}]} {
    %mul3A = arith.constant 2 : i32
    %mul3A_0 = arith.muli %arg1, %mul3A : i32
    %add3A = arith.addi %mul3A_0, %arg0 : i32
    %mul3A_1 = arith.constant 32 : i32
    %mul3A_2 = arith.muli %add3A, %mul3A_1 : i32
    "tpu.region"() ({
      %run_scoped3A = tpu.sem_alloc : memref<!tpu.dma_semaphore, #tpu.memory_space<semaphore_mem>>
      %dma_start3A_7 = tpu.memref_slice %arg3[%mul3A_2] : memref<1024xi32, #tpu.memory_space<hbm>> -> memref<32xi32, #tpu.memory_space<hbm>>
      %dma_start3A_8 = tpu.memref_slice %arg3[%mul3A_2] : memref<1024xi32, #tpu.memory_space<hbm>> -> memref<32xi32, #tpu.memory_space<hbm>>
      tpu.enqueue_dma source(%dma_start3A_8 : memref<32xi32, #tpu.memory_space<hbm>>) target(%arg5 : memref<32xi32, #tpu.memory_space<vmem>>) target_semaphore(%run_scoped3A : memref<!tpu.dma_semaphore, #tpu.memory_space<semaphore_mem>>)
      %dma_wait3A_9 = tpu.memref_slice %arg3[%mul3A_2] : memref<1024xi32, #tpu.memory_space<hbm>> -> memref<32xi32, #tpu.memory_space<hbm>>
      %dma_wait3A_10 = tpu.memref_slice %arg3[%mul3A_2] : memref<1024xi32, #tpu.memory_space<hbm>> -> memref<32xi32, #tpu.memory_space<hbm>>
      tpu.wait_dma2 semaphore(%run_scoped3A : memref<!tpu.dma_semaphore, #tpu.memory_space<semaphore_mem>>) src(%dma_wait3A_10 : memref<32xi32, #tpu.memory_space<hbm>>) dst(%arg5 : memref<32xi32, #tpu.memory_space<vmem>>)
      tpu.yield
    }) : () -> ()
    %dma_start3A = arith.constant 0 : i32
    %dma_start3A_3 = arith.constant 0 : i32
    %dma_start3A_4 = tpu.memref_slice %arg2[%dma_start3A, %dma_start3A_3] : memref<8192x128xf32, #tpu.memory_space<hbm>> -> memref<8192x128xf32, #tpu.memory_space<hbm>>
    tpu.enqueue_indirect_dma source(%dma_start3A_4 : memref<8192x128xf32, #tpu.memory_space<hbm>>) target(%arg6 : memref<32x128xf32, #tpu.memory_space<vmem>>) offsets(%arg5 : memref<32xi32, #tpu.memory_space<vmem>>) semaphore(%arg7 : memref<!tpu.dma_semaphore, #tpu.memory_space<semaphore_mem>>)
    %dma_wait3A = arith.constant 0 : i32
    %dma_wait3A_5 = arith.constant 0 : i32
    %dma_wait3A_6 = tpu.memref_slice %arg2[%dma_wait3A, %dma_wait3A_5] : memref<8192x128xf32, #tpu.memory_space<hbm>> -> memref<8192x128xf32, #tpu.memory_space<hbm>>
    tpu.wait_indirect_dma semaphore(%arg7 : memref<!tpu.dma_semaphore, #tpu.memory_space<semaphore_mem>>) src(%dma_wait3A_6 : memref<8192x128xf32, #tpu.memory_space<hbm>>) dst(%arg6 : memref<32x128xf32, #tpu.memory_space<vmem>>)
    "tpu.region"() ({
      %run_scoped3A = tpu.sem_alloc : memref<!tpu.dma_semaphore, #tpu.memory_space<semaphore_mem>>
      %dma_start3A_7 = arith.constant 0 : i32
      %dma_start3A_8 = tpu.memref_slice %arg4[%mul3A_2, %dma_start3A_7] : memref<1024x128xf32, #tpu.memory_space<hbm>> -> memref<32x128xf32, #tpu.memory_space<hbm>>
      %dma_start3A_9 = arith.constant 0 : i32
      %dma_start3A_10 = tpu.memref_slice %arg4[%mul3A_2, %dma_start3A_9] : memref<1024x128xf32, #tpu.memory_space<hbm>> -> memref<32x128xf32, #tpu.memory_space<hbm>>
      tpu.enqueue_dma source(%arg6 : memref<32x128xf32, #tpu.memory_space<vmem>>) target(%dma_start3A_10 : memref<32x128xf32, #tpu.memory_space<hbm>>) target_semaphore(%run_scoped3A : memref<!tpu.dma_semaphore, #tpu.memory_space<semaphore_mem>>)
      %dma_wait3A_11 = arith.constant 0 : i32
      %dma_wait3A_12 = tpu.memref_slice %arg4[%mul3A_2, %dma_wait3A_11] : memref<1024x128xf32, #tpu.memory_space<hbm>> -> memref<32x128xf32, #tpu.memory_space<hbm>>
      %dma_wait3A_13 = arith.constant 0 : i32
      %dma_wait3A_14 = tpu.memref_slice %arg4[%mul3A_2, %dma_wait3A_13] : memref<1024x128xf32, #tpu.memory_space<hbm>> -> memref<32x128xf32, #tpu.memory_space<hbm>>
      tpu.wait_dma2 semaphore(%run_scoped3A : memref<!tpu.dma_semaphore, #tpu.memory_space<semaphore_mem>>) src(%arg6 : memref<32x128xf32, #tpu.memory_space<vmem>>) dst(%dma_wait3A_14 : memref<32x128xf32, #tpu.memory_space<hbm>>)
      tpu.yield
    }) : () -> ()
    return
  }
}

module {
  func.func @main(%arg0: i32, %arg1: i32, %arg2: i32, %arg3: memref<1x256x256xf32, #tpu.memory_space<vmem>>, %arg4: memref<1x256x64xf32, #tpu.memory_space<vmem>>, %arg5: memref<1x256x64xf32, #tpu.memory_space<vmem>>, %arg6: memref<1x256x1xf32, #tpu.memory_space<vmem>>, %arg7: memref<1x256x1xf32, #tpu.memory_space<vmem>>) attributes {dimension_semantics = [#tpu.dimension_semantics<parallel>, #tpu.dimension_semantics<parallel>, #tpu.dimension_semantics<arbitrary>], iteration_bounds = array<i64: 4, 1, 1>, scratch_operands = 2 : i64, window_params = [{transform_indices = @qk_fn, window_bounds = array<i64: 1, 256, 256>}, {transform_indices = @v_fn, window_bounds = array<i64: 1, 256, 64>}, {transform_indices = @oi_fn, window_bounds = array<i64: 1, 256, 64>}]} {
    %c0 = arith.constant 0 : index
    %c0_i32 = arith.constant 0 : i32
    %0 = arith.cmpi eq, %c0_i32, %arg2 : i32
    scf.if %0 {
      %cst_3 = arith.constant dense<0.000000e+00> : vector<1x256x64xf32>
      vector.store %cst_3, %arg5[%c0, %c0, %c0] : memref<1x256x64xf32, #tpu.memory_space<vmem>>, vector<1x256x64xf32>
      %cst_4 = arith.constant dense<0xFF800000> : vector<1x256x1xf32>
      vector.store %cst_4, %arg6[%c0, %c0, %c0] : memref<1x256x1xf32, #tpu.memory_space<vmem>>, vector<1x256x1xf32>
      %cst_5 = arith.constant dense<0.000000e+00> : vector<1x256x1xf32>
      vector.store %cst_5, %arg7[%c0, %c0, %c0] : memref<1x256x1xf32, #tpu.memory_space<vmem>>, vector<1x256x1xf32>
    }
    %1 = vector.load %arg3[%c0, %c0, %c0] : memref<1x256x256xf32, #tpu.memory_space<vmem>>, vector<1x256x256xf32>
    %cst = arith.constant dense<0xFF800000> : vector<1x256xf32>
    %2 = vector.multi_reduction <maximumf>, %1, %cst [2] : vector<1x256x256xf32> to vector<1x256xf32>
    %3 = vector.shape_cast %2 : vector<1x256xf32> to vector<1x256x1xf32>
    %4 = vector.load %arg6[%c0, %c0, %c0] : memref<1x256x1xf32, #tpu.memory_space<vmem>>, vector<1x256x1xf32>
    %5 = arith.maximumf %4, %3 : vector<1x256x1xf32>
    %cst_0 = arith.constant dense<0.000000e+00> : vector<1x256x1xf32>
    %6 = arith.cmpf oeq, %4, %5 : vector<1x256x1xf32>
    %7 = arith.subf %4, %5 : vector<1x256x1xf32>
    %8 = arith.select %6, %cst_0, %7 : vector<1x256x1xi1>, vector<1x256x1xf32>
    %9 = vector.broadcast %5 : vector<1x256x1xf32> to vector<1x256x256xf32>
    %10 = arith.subf %1, %9 : vector<1x256x256xf32>
    %11 = math.exp %10 : vector<1x256x256xf32>
    %cst_1 = arith.constant dense<0.000000e+00> : vector<1x256xf32>
    %12 = vector.multi_reduction <add>, %11, %cst_1 [2] : vector<1x256x256xf32> to vector<1x256xf32>
    %13 = vector.shape_cast %12 : vector<1x256xf32> to vector<1x256x1xf32>
    %14 = vector.load %arg7[%c0, %c0, %c0] : memref<1x256x1xf32, #tpu.memory_space<vmem>>, vector<1x256x1xf32>
    %15 = math.exp %8 : vector<1x256x1xf32>
    %16 = arith.mulf %15, %14 : vector<1x256x1xf32>
    %17 = arith.addf %16, %13 : vector<1x256x1xf32>
    %18 = vector.load %arg5[%c0, %c0, %c0] : memref<1x256x64xf32, #tpu.memory_space<vmem>>, vector<1x256x64xf32>
    %19 = math.exp %8 : vector<1x256x1xf32>
    %20 = arith.mulf %19, %14 : vector<1x256x1xf32>
    %21 = vector.broadcast %20 : vector<1x256x1xf32> to vector<1x256x64xf32>
    %22 = arith.mulf %21, %18 : vector<1x256x64xf32>
    %23 = vector.load %arg4[%c0, %c0, %c0] : memref<1x256x64xf32, #tpu.memory_space<vmem>>, vector<1x256x64xf32>
    %24 = vector.shape_cast %23 : vector<1x256x64xf32> to vector<256x64xf32>
    %25 = vector.shape_cast %11 : vector<1x256x256xf32> to vector<256x256xf32>
    %26 = vector.shape_cast %22 : vector<1x256x64xf32> to vector<256x64xf32>
    %27 = tpu.matmul %25, %24, %26 {dimension_numbers = #tpu.dot_dimension_numbers<[1], [0], [0], [1], [0, 0, 1, 1], [], []>, precision = #tpu.contract_precision<bf16>, transpose_lhs_hint = false} : vector<256x256xf32>, vector<256x64xf32>, vector<256x64xf32> -> vector<256x64xf32>
    %28 = vector.shape_cast %27 : vector<256x64xf32> to vector<1x256x64xf32>
    %cst_2 = arith.constant dense<1.000000e+00> : vector<1x256x1xf32>
    %29 = arith.divf %cst_2, %17 : vector<1x256x1xf32>
    %30 = vector.broadcast %29 : vector<1x256x1xf32> to vector<1x256x64xf32>
    %31 = arith.mulf %28, %30 : vector<1x256x64xf32>
    %32 = vector.shape_cast %31 : vector<1x256x64xf32> to vector<1x256x64xf32>
    vector.store %32, %arg5[%c0, %c0, %c0] : memref<1x256x64xf32, #tpu.memory_space<vmem>>, vector<1x256x64xf32>
    vector.store %5, %arg6[%c0, %c0, %c0] : memref<1x256x1xf32, #tpu.memory_space<vmem>>, vector<1x256x1xf32>
    vector.store %17, %arg7[%c0, %c0, %c0] : memref<1x256x1xf32, #tpu.memory_space<vmem>>, vector<1x256x1xf32>
    return
  }
  func.func @qk_fn(%arg0: i32, %arg1: i32, %arg2: i32) -> (i32, i32, i32) {
    return %arg0, %arg1, %arg2 : i32, i32, i32
  }
  func.func @v_fn(%arg0: i32, %arg1: i32, %arg2: i32) -> (i32, i32, i32) {
    %c0_i32 = arith.constant 0 : i32
    return %arg0, %arg2, %c0_i32 : i32, i32, i32
  }
  func.func @oi_fn(%arg0: i32, %arg1: i32, %arg2: i32) -> (i32, i32, i32) {
    %c0_i32 = arith.constant 0 : i32
    return %arg0, %arg1, %c0_i32 : i32, i32, i32
  }
}

module attributes {stable_mosaic.version = 14 : i64} {
  func.func @_vq_body(%arg0: i32, %arg1: memref<1x256x64xf32, #tpu.memory_space<vmem>>, %arg2: memref<8192x64xf32, #tpu.memory_space<vmem>>, %arg3: memref<1x8192xf32, #tpu.memory_space<vmem>>, %arg4: memref<1x256x1xi32, #tpu.memory_space<vmem>>) attributes {dimension_semantics = [#tpu.dimension_semantics<arbitrary>], iteration_bounds = array<i64: 4>, scalar_prefetch = 0 : i64, scratch_operands = 0 : i64, tpu.core_type = #tpu.core_type<tc>, window_params = [{transform_indices = @transform_0, window_bounds = array<i64: 1, 256, 64>}, {pipeline_mode = #tpu.pipeline_mode<synchronous>, transform_indices = @transform_1, window_bounds = array<i64: 8192, 64>}, {pipeline_mode = #tpu.pipeline_mode<synchronous>, transform_indices = @transform_2, window_bounds = array<i64: 1, 8192>}, {transform_indices = @transform_3, window_bounds = array<i64: 1, 256, 1>}]} {
    %get3A = arith.constant 0 : index
    %get3A_0 = arith.constant 0 : index
    %get3A_1 = arith.constant 0 : index
    %get3A_2 = vector.load %arg1[%get3A, %get3A_0, %get3A_1] : memref<1x256x64xf32, #tpu.memory_space<vmem>>, vector<1x256x64xf32>
    %get3A_3 = vector.shape_cast %get3A_2 : vector<1x256x64xf32> to vector<256x64xf32>
    %mul3A = arith.mulf %get3A_3, %get3A_3 : vector<256x64xf32>
    %reduce_sum3A = arith.constant dense<0.000000e+00> : vector<256xf32>
    %reduce_sum3A_4 = vector.multi_reduction <add>, %mul3A, %reduce_sum3A [1] : vector<256x64xf32> to vector<256xf32>
    %broadcast_in_dim3A = vector.shape_cast %reduce_sum3A_4 : vector<256xf32> to vector<256x1xf32>
    %iota3A = tpu.iota {dimensions = array<i32: 1>} : vector<256x2048xi32>
    %broadcast_in_dim3A_5 = arith.constant 0x7F800000 : f32
    %broadcast_in_dim3A_6 = vector.broadcast %broadcast_in_dim3A_5 : f32 to vector<256x1xf32>
    %broadcast_in_dim3A_7 = arith.constant 0 : i32
    %broadcast_in_dim3A_8 = vector.broadcast %broadcast_in_dim3A_7 : i32 to vector<256x1xi32>
    %scan3A = arith.constant 0 : i32
    %scan3A_9 = arith.constant 4 : i32
    %scan3A_10 = arith.addi %scan3A, %scan3A_9 : i32
    %scan3A_11 = arith.constant 1 : i32
    %scan3A_12:2 = scf.for %scan3A_19 = %scan3A to %scan3A_10 step %scan3A_11 iter_args(%scan3A_20 = %broadcast_in_dim3A_6, %scan3A_21 = %broadcast_in_dim3A_8) -> (vector<256x1xf32>, vector<256x1xi32>)  : i32 {
      %mul3A_22 = arith.constant 2048 : i32
      %mul3A_23 = arith.muli %scan3A_19, %mul3A_22 : i32
      %get3A_24 = arith.index_cast %mul3A_23 : i32 to index
      %get3A_25 = arith.constant 0 : index
      %get3A_26 = vector.load %arg2[%get3A_24, %get3A_25] : memref<8192x64xf32, #tpu.memory_space<vmem>>, vector<2048x64xf32>
      %dot_general3A = arith.constant dense<0.000000e+00> : vector<256x2048xf32>
      %dot_general3A_27 = tpu.matmul %get3A_3, %get3A_26, %dot_general3A {dimension_numbers = #tpu.dot_dimension_numbers<[1], [1], [0], [0], [0, 0, 1, 0], [], []>, transpose_lhs_hint = false} : vector<256x64xf32>, vector<2048x64xf32>, vector<256x2048xf32> -> vector<256x2048xf32>
      %mul3A_28 = arith.constant 2048 : i32
      %mul3A_29 = arith.muli %scan3A_19, %mul3A_28 : i32
      %get3A_30 = arith.constant 0 : index
      %get3A_31 = arith.index_cast %mul3A_29 : i32 to index
      %get3A_32 = vector.load %arg3[%get3A_30, %get3A_31] : memref<1x8192xf32, #tpu.memory_space<vmem>>, vector<1x2048xf32>
      %get3A_33 = vector.shape_cast %get3A_32 : vector<1x2048xf32> to vector<2048xf32>
      %broadcast_in_dim3A_34 = vector.shape_cast %get3A_33 : vector<2048xf32> to vector<1x2048xf32>
      %mul3A_35 = arith.constant 2.000000e+00 : f32
      %mul3A_36 = vector.broadcast %mul3A_35 : f32 to vector<256x2048xf32>
      %mul3A_37 = arith.mulf %mul3A_36, %dot_general3A_27 : vector<256x2048xf32>
      %sub3A = vector.broadcast %broadcast_in_dim3A : vector<256x1xf32> to vector<256x2048xf32>
      %sub3A_38 = arith.subf %sub3A, %mul3A_37 : vector<256x2048xf32>
      %add3A = vector.broadcast %broadcast_in_dim3A_34 : vector<1x2048xf32> to vector<256x2048xf32>
      %add3A_39 = arith.addf %sub3A_38, %add3A : vector<256x2048xf32>
      %reduce_min3A = arith.constant dense<0x7F800000> : vector<256xf32>
      %reduce_min3A_40 = vector.multi_reduction <minimumf>, %add3A_39, %reduce_min3A [1] : vector<256x2048xf32> to vector<256xf32>
      %broadcast_in_dim3A_41 = vector.shape_cast %reduce_min3A_40 : vector<256xf32> to vector<256x1xf32>
      %eq3A = vector.broadcast %broadcast_in_dim3A_41 : vector<256x1xf32> to vector<256x2048xf32>
      %eq3A_42 = arith.cmpf oeq, %add3A_39, %eq3A : vector<256x2048xf32>
      %jit3A = arith.constant 2147483647 : i32
      %broadcast_in_dim3A_43 = vector.broadcast %jit3A : i32 to vector<256x2048xi32>
      %select_n3A = arith.select %eq3A_42, %iota3A, %broadcast_in_dim3A_43 : vector<256x2048xi1>, vector<256x2048xi32>
      %reduce_min3A_44 = arith.constant dense<2147483647> : vector<256xi32>
      %reduce_min3A_45 = vector.multi_reduction <minsi>, %select_n3A, %reduce_min3A_44 [1] : vector<256x2048xi32> to vector<256xi32>
      %broadcast_in_dim3A_46 = vector.shape_cast %reduce_min3A_45 : vector<256xi32> to vector<256x1xi32>
      %mul3A_47 = arith.constant 2048 : i32
      %mul3A_48 = arith.muli %scan3A_19, %mul3A_47 : i32
      %add3A_49 = vector.broadcast %mul3A_48 : i32 to vector<256x1xi32>
      %add3A_50 = arith.addi %broadcast_in_dim3A_46, %add3A_49 : vector<256x1xi32>
      %lt3A = arith.cmpf olt, %broadcast_in_dim3A_41, %scan3A_20 : vector<256x1xf32>
      %select_n3A_51 = arith.select %lt3A, %broadcast_in_dim3A_41, %scan3A_20 : vector<256x1xi1>, vector<256x1xf32>
      %select_n3A_52 = arith.select %lt3A, %add3A_50, %scan3A_21 : vector<256x1xi1>, vector<256x1xi32>
      scf.yield %select_n3A_51, %select_n3A_52 : vector<256x1xf32>, vector<256x1xi32>
    }
    %scan3A_13 = arith.constant 4 : i32
    %swap3A = arith.constant 0 : index
    %swap3A_14 = arith.constant 0 : index
    %swap3A_15 = arith.constant 0 : index
    %swap3A_16 = vector.load %arg4[%swap3A, %swap3A_14, %swap3A_15] : memref<1x256x1xi32, #tpu.memory_space<vmem>>, vector<1x256x1xi32>
    %swap3A_17 = vector.shape_cast %swap3A_16 : vector<1x256x1xi32> to vector<256x1xi32>
    %swap3A_18 = vector.shape_cast %scan3A_12#1 : vector<256x1xi32> to vector<1x256x1xi32>
    tpu.vector_store %arg4[%swap3A, %swap3A_14, %swap3A_15], %swap3A_18 {strides = array<i32>} : memref<1x256x1xi32, #tpu.memory_space<vmem>>, vector<1x256x1xi32>,
    return
  }
  func.func @transform_0(%arg0: i32) -> (i32, i32, i32) {
    %c0_i32 = arith.constant 0 : i32
    %c0_i32_0 = arith.constant 0 : i32
    %c0_i32_1 = arith.constant 0 : i32
    return %arg0, %c0_i32, %c0_i32_0 : i32, i32, i32
  }
  func.func @transform_1(%arg0: i32) -> (i32, i32) {
    %c0_i32 = arith.constant 0 : i32
    %c0_i32_0 = arith.constant 0 : i32
    %c0_i32_1 = arith.constant 0 : i32
    return %c0_i32, %c0_i32_0 : i32, i32
  }
  func.func @transform_2(%arg0: i32) -> (i32, i32) {
    %c0_i32 = arith.constant 0 : i32
    %c0_i32_0 = arith.constant 0 : i32
    %c0_i32_1 = arith.constant 0 : i32
    return %c0_i32, %c0_i32_0 : i32, i32
  }
  func.func @transform_3(%arg0: i32) -> (i32, i32, i32) {
    %c0_i32 = arith.constant 0 : i32
    %c0_i32_0 = arith.constant 0 : i32
    %c0_i32_1 = arith.constant 0 : i32
    return %arg0, %c0_i32, %c0_i32_0 : i32, i32, i32
  }
}

module attributes {stable_mosaic.version = 14 : i64} {
  func.func @_dec_body(%arg0: i32, %arg1: memref<1024xi32, #tpu.memory_space<smem>>, %arg2: memref<8192x64xf32, #tpu.memory_space<vmem>>, %arg3: memref<64x64xf32, #tpu.memory_space<vmem>>, %arg4: memref<1x64xf32, #tpu.memory_space<vmem>>, %arg5: memref<64x64xf32, #tpu.memory_space<vmem>>, %arg6: memref<1x64xf32, #tpu.memory_space<vmem>>, %arg7: memref<64x64xf32, #tpu.memory_space<vmem>>, %arg8: memref<1x64xf32, #tpu.memory_space<vmem>>, %arg9: memref<64x64xf32, #tpu.memory_space<vmem>>, %arg10: memref<1x64xf32, #tpu.memory_space<vmem>>, %arg11: memref<64x64xf32, #tpu.memory_space<vmem>>, %arg12: memref<1x64xf32, #tpu.memory_space<vmem>>, %arg13: memref<64x64xf32, #tpu.memory_space<vmem>>, %arg14: memref<1x64xf32, #tpu.memory_space<vmem>>, %arg15: memref<64x64xf32, #tpu.memory_space<vmem>>, %arg16: memref<1x64xf32, #tpu.memory_space<vmem>>, %arg17: memref<64x64xf32, #tpu.memory_space<vmem>>, %arg18: memref<1x64xf32, #tpu.memory_space<vmem>>, %arg19: memref<64x32xf32, #tpu.memory_space<vmem>>, %arg20: memref<64x32xf32, #tpu.memory_space<vmem>>, %arg21: memref<64x32xf32, #tpu.memory_space<vmem>>, %arg22: memref<1x32xf32, #tpu.memory_space<vmem>>, %arg23: memref<32x16xf32, #tpu.memory_space<vmem>>, %arg24: memref<32x16xf32, #tpu.memory_space<vmem>>, %arg25: memref<32x16xf32, #tpu.memory_space<vmem>>, %arg26: memref<1x16xf32, #tpu.memory_space<vmem>>, %arg27: memref<16x96xf32, #tpu.memory_space<vmem>>, %arg28: memref<16x96xf32, #tpu.memory_space<vmem>>, %arg29: memref<16x96xf32, #tpu.memory_space<vmem>>, %arg30: memref<1x96xf32, #tpu.memory_space<vmem>>, %arg31: memref<96x96xf32, #tpu.memory_space<vmem>>, %arg32: memref<1x96xf32, #tpu.memory_space<vmem>>, %arg33: memref<1x256x96xf32, #tpu.memory_space<vmem>>, %arg34: memref<256x64xf32, #tpu.memory_space<vmem>>) attributes {dimension_semantics = [#tpu.dimension_semantics<arbitrary>], iteration_bounds = array<i64: 4>, scalar_prefetch = 1 : i64, scratch_operands = 1 : i64, tpu.core_type = #tpu.core_type<tc>, window_params = [{pipeline_mode = #tpu.pipeline_mode<synchronous>, transform_indices = @transform_0, window_bounds = array<i64: 8192, 64>}, {pipeline_mode = #tpu.pipeline_mode<synchronous>, transform_indices = @transform_1, window_bounds = array<i64: 64, 64>}, {pipeline_mode = #tpu.pipeline_mode<synchronous>, transform_indices = @transform_2, window_bounds = array<i64: 1, 64>}, {pipeline_mode = #tpu.pipeline_mode<synchronous>, transform_indices = @transform_3, window_bounds = array<i64: 64, 64>}, {pipeline_mode = #tpu.pipeline_mode<synchronous>, transform_indices = @transform_4, window_bounds = array<i64: 1, 64>}, {pipeline_mode = #tpu.pipeline_mode<synchronous>, transform_indices = @transform_5, window_bounds = array<i64: 64, 64>}, {pipeline_mode = #tpu.pipeline_mode<synchronous>, transform_indices = @transform_6, window_bounds = array<i64: 1, 64>}, {pipeline_mode = #tpu.pipeline_mode<synchronous>, transform_indices = @transform_7, window_bounds = array<i64: 64, 64>}, {pipeline_mode = #tpu.pipeline_mode<synchronous>, transform_indices = @transform_8, window_bounds = array<i64: 1, 64>}, {pipeline_mode = #tpu.pipeline_mode<synchronous>, transform_indices = @transform_9, window_bounds = array<i64: 64, 64>}, {pipeline_mode = #tpu.pipeline_mode<synchronous>, transform_indices = @transform_10, window_bounds = array<i64: 1, 64>}, {pipeline_mode = #tpu.pipeline_mode<synchronous>, transform_indices = @transform_11, window_bounds = array<i64: 64, 64>}, {pipeline_mode = #tpu.pipeline_mode<synchronous>, transform_indices = @transform_12, window_bounds = array<i64: 1, 64>}, {pipeline_mode = #tpu.pipeline_mode<synchronous>, transform_indices = @transform_13, window_bounds = array<i64: 64, 64>}, {pipeline_mode = #tpu.pipeline_mode<synchronous>, transform_indices = @transform_14, window_bounds = array<i64: 1, 64>}, {pipeline_mode = #tpu.pipeline_mode<synchronous>, transform_indices = @transform_15, window_bounds = array<i64: 64, 64>}, {pipeline_mode = #tpu.pipeline_mode<synchronous>, transform_indices = @transform_16, window_bounds = array<i64: 1, 64>}, {pipeline_mode = #tpu.pipeline_mode<synchronous>, transform_indices = @transform_17, window_bounds = array<i64: 64, 32>}, {pipeline_mode = #tpu.pipeline_mode<synchronous>, transform_indices = @transform_18, window_bounds = array<i64: 64, 32>}, {pipeline_mode = #tpu.pipeline_mode<synchronous>, transform_indices = @transform_19, window_bounds = array<i64: 64, 32>}, {pipeline_mode = #tpu.pipeline_mode<synchronous>, transform_indices = @transform_20, window_bounds = array<i64: 1, 32>}, {pipeline_mode = #tpu.pipeline_mode<synchronous>, transform_indices = @transform_21, window_bounds = array<i64: 32, 16>}, {pipeline_mode = #tpu.pipeline_mode<synchronous>, transform_indices = @transform_22, window_bounds = array<i64: 32, 16>}, {pipeline_mode = #tpu.pipeline_mode<synchronous>, transform_indices = @transform_23, window_bounds = array<i64: 32, 16>}, {pipeline_mode = #tpu.pipeline_mode<synchronous>, transform_indices = @transform_24, window_bounds = array<i64: 1, 16>}, {pipeline_mode = #tpu.pipeline_mode<synchronous>, transform_indices = @transform_25, window_bounds = array<i64: 16, 96>}, {pipeline_mode = #tpu.pipeline_mode<synchronous>, transform_indices = @transform_26, window_bounds = array<i64: 16, 96>}, {pipeline_mode = #tpu.pipeline_mode<synchronous>, transform_indices = @transform_27, window_bounds = array<i64: 16, 96>}, {pipeline_mode = #tpu.pipeline_mode<synchronous>, transform_indices = @transform_28, window_bounds = array<i64: 1, 96>}, {pipeline_mode = #tpu.pipeline_mode<synchronous>, transform_indices = @transform_29, window_bounds = array<i64: 96, 96>}, {pipeline_mode = #tpu.pipeline_mode<synchronous>, transform_indices = @transform_30, window_bounds = array<i64: 1, 96>}, {transform_indices = @transform_31, window_bounds = array<i64: 1, 256, 96>}]} {
    %mul3A = arith.constant 256 : i32
    %mul3A_0 = arith.muli %arg0, %mul3A : i32
    %scan3A = arith.constant 0 : i32
    %scan3A_1 = arith.constant 256 : i32
    %scan3A_2 = arith.addi %scan3A, %scan3A_1 : i32
    %scan3A_3 = arith.constant 1 : i32
    scf.for %scan3A_222 = %scan3A to %scan3A_2 step %scan3A_3  : i32 {
      %add3A_223 = arith.addi %mul3A_0, %scan3A_222 : i32
      %get3A_224 = arith.index_cast %add3A_223 : i32 to index
      %get3A_225 = memref.load %arg1[%get3A_224] : memref<1024xi32, #tpu.memory_space<smem>>
      %get3A_226 = arith.index_cast %get3A_225 : i32 to index
      %get3A_227 = arith.constant 0 : index
      %get3A_228 = vector.load %arg2[%get3A_226, %get3A_227] : memref<8192x64xf32, #tpu.memory_space<vmem>>, vector<1x64xf32>
      %swap3A_229 = arith.index_cast %scan3A_222 : i32 to index
      %swap3A_230 = arith.constant 0 : index
      %swap3A_231 = vector.load %arg34[%swap3A_229, %swap3A_230] : memref<256x64xf32, #tpu.memory_space<vmem>>, vector<1x64xf32>
      tpu.vector_store %arg34[%swap3A_229, %swap3A_230], %get3A_228 {strides = array<i32>} : memref<256x64xf32, #tpu.memory_space<vmem>>, vector<1x64xf32>,
    }
    %scan3A_4 = arith.constant 256 : i32
    %get3A = arith.constant 0 : index
    %get3A_5 = arith.constant 0 : index
    %get3A_6 = vector.load %arg34[%get3A, %get3A_5] : memref<256x64xf32, #tpu.memory_space<vmem>>, vector<256x64xf32>
    %get3A_7 = arith.constant 0 : index
    %get3A_8 = arith.constant 0 : index
    %get3A_9 = vector.load %arg3[%get3A_7, %get3A_8] : memref<64x64xf32, #tpu.memory_space<vmem>>, vector<64x64xf32>
    %get3A_10 = arith.constant 0 : index
    %get3A_11 = arith.constant 0 : index
    %get3A_12 = vector.load %arg4[%get3A_10, %get3A_11] : memref<1x64xf32, #tpu.memory_space<vmem>>, vector<1x64xf32>
    %get3A_13 = arith.constant 0 : index
    %get3A_14 = arith.constant 0 : index
    %get3A_15 = vector.load %arg5[%get3A_13, %get3A_14] : memref<64x64xf32, #tpu.memory_space<vmem>>, vector<64x64xf32>
    %get3A_16 = arith.constant 0 : index
    %get3A_17 = arith.constant 0 : index
    %get3A_18 = vector.load %arg6[%get3A_16, %get3A_17] : memref<1x64xf32, #tpu.memory_space<vmem>>, vector<1x64xf32>
    %get3A_19 = arith.constant 0 : index
    %get3A_20 = arith.constant 0 : index
    %get3A_21 = vector.load %arg7[%get3A_19, %get3A_20] : memref<64x64xf32, #tpu.memory_space<vmem>>, vector<64x64xf32>
    %get3A_22 = arith.constant 0 : index
    %get3A_23 = arith.constant 0 : index
    %get3A_24 = vector.load %arg8[%get3A_22, %get3A_23] : memref<1x64xf32, #tpu.memory_space<vmem>>, vector<1x64xf32>
    %get3A_25 = arith.constant 0 : index
    %get3A_26 = arith.constant 0 : index
    %get3A_27 = vector.load %arg9[%get3A_25, %get3A_26] : memref<64x64xf32, #tpu.memory_space<vmem>>, vector<64x64xf32>
    %get3A_28 = arith.constant 0 : index
    %get3A_29 = arith.constant 0 : index
    %get3A_30 = vector.load %arg10[%get3A_28, %get3A_29] : memref<1x64xf32, #tpu.memory_space<vmem>>, vector<1x64xf32>
    %dot_general3A = arith.constant dense<0.000000e+00> : vector<256x64xf32>
    %dot_general3A_31 = tpu.matmul %get3A_6, %get3A_9, %dot_general3A {dimension_numbers = #tpu.dot_dimension_numbers<[1], [0], [0], [1], [0, 0, 1, 1], [], []>, transpose_lhs_hint = false} : vector<256x64xf32>, vector<64x64xf32>, vector<256x64xf32> -> vector<256x64xf32>
    %add3A = vector.broadcast %get3A_12 : vector<1x64xf32> to vector<256x64xf32>
    %add3A_32 = arith.addf %dot_general3A_31, %add3A : vector<256x64xf32>
    %dot_general3A_33 = arith.constant dense<0.000000e+00> : vector<256x64xf32>
    %dot_general3A_34 = tpu.matmul %get3A_6, %get3A_15, %dot_general3A_33 {dimension_numbers = #tpu.dot_dimension_numbers<[1], [0], [0], [1], [0, 0, 1, 1], [], []>, transpose_lhs_hint = false} : vector<256x64xf32>, vector<64x64xf32>, vector<256x64xf32> -> vector<256x64xf32>
    %add3A_35 = vector.broadcast %get3A_18 : vector<1x64xf32> to vector<256x64xf32>
    %add3A_36 = arith.addf %dot_general3A_34, %add3A_35 : vector<256x64xf32>
    %dot_general3A_37 = arith.constant dense<0.000000e+00> : vector<256x64xf32>
    %dot_general3A_38 = tpu.matmul %get3A_6, %get3A_21, %dot_general3A_37 {dimension_numbers = #tpu.dot_dimension_numbers<[1], [0], [0], [1], [0, 0, 1, 1], [], []>, transpose_lhs_hint = false} : vector<256x64xf32>, vector<64x64xf32>, vector<256x64xf32> -> vector<256x64xf32>
    %add3A_39 = vector.broadcast %get3A_24 : vector<1x64xf32> to vector<256x64xf32>
    %add3A_40 = arith.addf %dot_general3A_38, %add3A_39 : vector<256x64xf32>
    %dot_general3A_41 = arith.constant dense<0.000000e+00> : vector<256x256xf32>
    %dot_general3A_42 = tpu.matmul %add3A_32, %add3A_36, %dot_general3A_41 {dimension_numbers = #tpu.dot_dimension_numbers<[1], [1], [0], [0], [0, 0, 1, 0], [], []>, transpose_lhs_hint = false} : vector<256x64xf32>, vector<256x64xf32>, vector<256x256xf32> -> vector<256x256xf32>
    %mul3A_43 = arith.constant 1.250000e-01 : f32
    %mul3A_44 = vector.broadcast %mul3A_43 : f32 to vector<256x256xf32>
    %mul3A_45 = arith.mulf %dot_general3A_42, %mul3A_44 : vector<256x256xf32>
    %reduce_max3A = arith.constant dense<0xFF800000> : vector<256xf32>
    %reduce_max3A_46 = vector.multi_reduction <maximumf>, %mul3A_45, %reduce_max3A [1] : vector<256x256xf32> to vector<256xf32>
    %broadcast_in_dim3A = vector.shape_cast %reduce_max3A_46 : vector<256xf32> to vector<256x1xf32>
    %sub3A = vector.broadcast %broadcast_in_dim3A : vector<256x1xf32> to vector<256x256xf32>
    %sub3A_47 = arith.subf %mul3A_45, %sub3A : vector<256x256xf32>
    %exp3A = math.exp %sub3A_47 : vector<256x256xf32>
    %reduce_sum3A = arith.constant dense<0.000000e+00> : vector<256xf32>
    %reduce_sum3A_48 = vector.multi_reduction <add>, %exp3A, %reduce_sum3A [1] : vector<256x256xf32> to vector<256xf32>
    %broadcast_in_dim3A_49 = vector.shape_cast %reduce_sum3A_48 : vector<256xf32> to vector<256x1xf32>
    %div3A = vector.broadcast %broadcast_in_dim3A_49 : vector<256x1xf32> to vector<256x256xf32>
    %div3A_50 = arith.divf %exp3A, %div3A : vector<256x256xf32>
    %dot_general3A_51 = arith.constant dense<0.000000e+00> : vector<256x64xf32>
    %dot_general3A_52 = tpu.matmul %div3A_50, %add3A_40, %dot_general3A_51 {dimension_numbers = #tpu.dot_dimension_numbers<[1], [0], [0], [1], [0, 0, 1, 1], [], []>, transpose_lhs_hint = false} : vector<256x256xf32>, vector<256x64xf32>, vector<256x64xf32> -> vector<256x64xf32>
    %dot_general3A_53 = arith.constant dense<0.000000e+00> : vector<256x64xf32>
    %dot_general3A_54 = tpu.matmul %dot_general3A_52, %get3A_27, %dot_general3A_53 {dimension_numbers = #tpu.dot_dimension_numbers<[1], [0], [0], [1], [0, 0, 1, 1], [], []>, transpose_lhs_hint = false} : vector<256x64xf32>, vector<64x64xf32>, vector<256x64xf32> -> vector<256x64xf32>
    %add3A_55 = vector.broadcast %get3A_30 : vector<1x64xf32> to vector<256x64xf32>
    %add3A_56 = arith.addf %dot_general3A_54, %add3A_55 : vector<256x64xf32>
    %add3A_57 = arith.addf %get3A_6, %add3A_56 : vector<256x64xf32>
    %get3A_58 = arith.constant 0 : index
    %get3A_59 = arith.constant 0 : index
    %get3A_60 = vector.load %arg11[%get3A_58, %get3A_59] : memref<64x64xf32, #tpu.memory_space<vmem>>, vector<64x64xf32>
    %get3A_61 = arith.constant 0 : index
    %get3A_62 = arith.constant 0 : index
    %get3A_63 = vector.load %arg12[%get3A_61, %get3A_62] : memref<1x64xf32, #tpu.memory_space<vmem>>, vector<1x64xf32>
    %get3A_64 = arith.constant 0 : index
    %get3A_65 = arith.constant 0 : index
    %get3A_66 = vector.load %arg13[%get3A_64, %get3A_65] : memref<64x64xf32, #tpu.memory_space<vmem>>, vector<64x64xf32>
    %get3A_67 = arith.constant 0 : index
    %get3A_68 = arith.constant 0 : index
    %get3A_69 = vector.load %arg14[%get3A_67, %get3A_68] : memref<1x64xf32, #tpu.memory_space<vmem>>, vector<1x64xf32>
    %get3A_70 = arith.constant 0 : index
    %get3A_71 = arith.constant 0 : index
    %get3A_72 = vector.load %arg15[%get3A_70, %get3A_71] : memref<64x64xf32, #tpu.memory_space<vmem>>, vector<64x64xf32>
    %get3A_73 = arith.constant 0 : index
    %get3A_74 = arith.constant 0 : index
    %get3A_75 = vector.load %arg16[%get3A_73, %get3A_74] : memref<1x64xf32, #tpu.memory_space<vmem>>, vector<1x64xf32>
    %get3A_76 = arith.constant 0 : index
    %get3A_77 = arith.constant 0 : index
    %get3A_78 = vector.load %arg17[%get3A_76, %get3A_77] : memref<64x64xf32, #tpu.memory_space<vmem>>, vector<64x64xf32>
    %get3A_79 = arith.constant 0 : index
    %get3A_80 = arith.constant 0 : index
    %get3A_81 = vector.load %arg18[%get3A_79, %get3A_80] : memref<1x64xf32, #tpu.memory_space<vmem>>, vector<1x64xf32>
    %dot_general3A_82 = arith.constant dense<0.000000e+00> : vector<256x64xf32>
    %dot_general3A_83 = tpu.matmul %add3A_57, %get3A_60, %dot_general3A_82 {dimension_numbers = #tpu.dot_dimension_numbers<[1], [0], [0], [1], [0, 0, 1, 1], [], []>, transpose_lhs_hint = false} : vector<256x64xf32>, vector<64x64xf32>, vector<256x64xf32> -> vector<256x64xf32>
    %add3A_84 = vector.broadcast %get3A_63 : vector<1x64xf32> to vector<256x64xf32>
    %add3A_85 = arith.addf %dot_general3A_83, %add3A_84 : vector<256x64xf32>
    %dot_general3A_86 = arith.constant dense<0.000000e+00> : vector<256x64xf32>
    %dot_general3A_87 = tpu.matmul %add3A_57, %get3A_66, %dot_general3A_86 {dimension_numbers = #tpu.dot_dimension_numbers<[1], [0], [0], [1], [0, 0, 1, 1], [], []>, transpose_lhs_hint = false} : vector<256x64xf32>, vector<64x64xf32>, vector<256x64xf32> -> vector<256x64xf32>
    %add3A_88 = vector.broadcast %get3A_69 : vector<1x64xf32> to vector<256x64xf32>
    %add3A_89 = arith.addf %dot_general3A_87, %add3A_88 : vector<256x64xf32>
    %dot_general3A_90 = arith.constant dense<0.000000e+00> : vector<256x64xf32>
    %dot_general3A_91 = tpu.matmul %add3A_57, %get3A_72, %dot_general3A_90 {dimension_numbers = #tpu.dot_dimension_numbers<[1], [0], [0], [1], [0, 0, 1, 1], [], []>, transpose_lhs_hint = false} : vector<256x64xf32>, vector<64x64xf32>, vector<256x64xf32> -> vector<256x64xf32>
    %add3A_92 = vector.broadcast %get3A_75 : vector<1x64xf32> to vector<256x64xf32>
    %add3A_93 = arith.addf %dot_general3A_91, %add3A_92 : vector<256x64xf32>
    %dot_general3A_94 = arith.constant dense<0.000000e+00> : vector<256x256xf32>
    %dot_general3A_95 = tpu.matmul %add3A_85, %add3A_89, %dot_general3A_94 {dimension_numbers = #tpu.dot_dimension_numbers<[1], [1], [0], [0], [0, 0, 1, 0], [], []>, transpose_lhs_hint = false} : vector<256x64xf32>, vector<256x64xf32>, vector<256x256xf32> -> vector<256x256xf32>
    %mul3A_96 = arith.constant 1.250000e-01 : f32
    %mul3A_97 = vector.broadcast %mul3A_96 : f32 to vector<256x256xf32>
    %mul3A_98 = arith.mulf %dot_general3A_95, %mul3A_97 : vector<256x256xf32>
    %reduce_max3A_99 = arith.constant dense<0xFF800000> : vector<256xf32>
    %reduce_max3A_100 = vector.multi_reduction <maximumf>, %mul3A_98, %reduce_max3A_99 [1] : vector<256x256xf32> to vector<256xf32>
    %broadcast_in_dim3A_101 = vector.shape_cast %reduce_max3A_100 : vector<256xf32> to vector<256x1xf32>
    %sub3A_102 = vector.broadcast %broadcast_in_dim3A_101 : vector<256x1xf32> to vector<256x256xf32>
    %sub3A_103 = arith.subf %mul3A_98, %sub3A_102 : vector<256x256xf32>
    %exp3A_104 = math.exp %sub3A_103 : vector<256x256xf32>
    %reduce_sum3A_105 = arith.constant dense<0.000000e+00> : vector<256xf32>
    %reduce_sum3A_106 = vector.multi_reduction <add>, %exp3A_104, %reduce_sum3A_105 [1] : vector<256x256xf32> to vector<256xf32>
    %broadcast_in_dim3A_107 = vector.shape_cast %reduce_sum3A_106 : vector<256xf32> to vector<256x1xf32>
    %div3A_108 = vector.broadcast %broadcast_in_dim3A_107 : vector<256x1xf32> to vector<256x256xf32>
    %div3A_109 = arith.divf %exp3A_104, %div3A_108 : vector<256x256xf32>
    %dot_general3A_110 = arith.constant dense<0.000000e+00> : vector<256x64xf32>
    %dot_general3A_111 = tpu.matmul %div3A_109, %add3A_93, %dot_general3A_110 {dimension_numbers = #tpu.dot_dimension_numbers<[1], [0], [0], [1], [0, 0, 1, 1], [], []>, transpose_lhs_hint = false} : vector<256x256xf32>, vector<256x64xf32>, vector<256x64xf32> -> vector<256x64xf32>
    %dot_general3A_112 = arith.constant dense<0.000000e+00> : vector<256x64xf32>
    %dot_general3A_113 = tpu.matmul %dot_general3A_111, %get3A_78, %dot_general3A_112 {dimension_numbers = #tpu.dot_dimension_numbers<[1], [0], [0], [1], [0, 0, 1, 1], [], []>, transpose_lhs_hint = false} : vector<256x64xf32>, vector<64x64xf32>, vector<256x64xf32> -> vector<256x64xf32>
    %add3A_114 = vector.broadcast %get3A_81 : vector<1x64xf32> to vector<256x64xf32>
    %add3A_115 = arith.addf %dot_general3A_113, %add3A_114 : vector<256x64xf32>
    %add3A_116 = arith.addf %add3A_57, %add3A_115 : vector<256x64xf32>
    %get3A_117 = arith.constant 0 : index
    %get3A_118 = arith.constant 0 : index
    %get3A_119 = vector.load %arg19[%get3A_117, %get3A_118] : memref<64x32xf32, #tpu.memory_space<vmem>>, vector<64x32xf32>
    %get3A_120 = arith.constant 0 : index
    %get3A_121 = arith.constant 0 : index
    %get3A_122 = vector.load %arg20[%get3A_120, %get3A_121] : memref<64x32xf32, #tpu.memory_space<vmem>>, vector<64x32xf32>
    %get3A_123 = arith.constant 0 : index
    %get3A_124 = arith.constant 0 : index
    %get3A_125 = vector.load %arg21[%get3A_123, %get3A_124] : memref<64x32xf32, #tpu.memory_space<vmem>>, vector<64x32xf32>
    %get3A_126 = arith.constant 0 : index
    %get3A_127 = arith.constant 0 : index
    %get3A_128 = vector.load %arg22[%get3A_126, %get3A_127] : memref<1x32xf32, #tpu.memory_space<vmem>>, vector<1x32xf32>
    %broadcast_in_dim3A_129 = arith.constant 0.000000e+00 : f32
    %broadcast_in_dim3A_130 = vector.broadcast %broadcast_in_dim3A_129 : f32 to vector<1x64xf32>
    %slice3A = vector.extract_strided_slice %add3A_116 {offsets = [0, 0], sizes = [255, 64], strides = [1, 1]} : vector<256x64xf32> to vector<255x64xf32>
    %concatenate3A = tpu.concatenate %broadcast_in_dim3A_130, %slice3A in 0 : vector<1x64xf32>, vector<255x64xf32> -> vector<256x64xf32>
    %slice3A_131 = vector.extract_strided_slice %add3A_116 {offsets = [1, 0], sizes = [255, 64], strides = [1, 1]} : vector<256x64xf32> to vector<255x64xf32>
    %concatenate3A_132 = tpu.concatenate %slice3A_131, %broadcast_in_dim3A_130 in 0 : vector<255x64xf32>, vector<1x64xf32> -> vector<256x64xf32>
    %dot_general3A_133 = arith.constant dense<0.000000e+00> : vector<256x32xf32>
    %dot_general3A_134 = tpu.matmul %concatenate3A, %get3A_119, %dot_general3A_133 {dimension_numbers = #tpu.dot_dimension_numbers<[1], [0], [0], [1], [0, 0, 1, 1], [], []>, transpose_lhs_hint = false} : vector<256x64xf32>, vector<64x32xf32>, vector<256x32xf32> -> vector<256x32xf32>
    %dot_general3A_135 = arith.constant dense<0.000000e+00> : vector<256x32xf32>
    %dot_general3A_136 = tpu.matmul %add3A_116, %get3A_122, %dot_general3A_135 {dimension_numbers = #tpu.dot_dimension_numbers<[1], [0], [0], [1], [0, 0, 1, 1], [], []>, transpose_lhs_hint = false} : vector<256x64xf32>, vector<64x32xf32>, vector<256x32xf32> -> vector<256x32xf32>
    %add3A_137 = arith.addf %dot_general3A_134, %dot_general3A_136 : vector<256x32xf32>
    %dot_general3A_138 = arith.constant dense<0.000000e+00> : vector<256x32xf32>
    %dot_general3A_139 = tpu.matmul %concatenate3A_132, %get3A_125, %dot_general3A_138 {dimension_numbers = #tpu.dot_dimension_numbers<[1], [0], [0], [1], [0, 0, 1, 1], [], []>, transpose_lhs_hint = false} : vector<256x64xf32>, vector<64x32xf32>, vector<256x32xf32> -> vector<256x32xf32>
    %add3A_140 = arith.addf %add3A_137, %dot_general3A_139 : vector<256x32xf32>
    %add3A_141 = vector.broadcast %get3A_128 : vector<1x32xf32> to vector<256x32xf32>
    %add3A_142 = arith.addf %add3A_140, %add3A_141 : vector<256x32xf32>
    %max3A = arith.constant 0.000000e+00 : f32
    %max3A_143 = vector.broadcast %max3A : f32 to vector<256x32xf32>
    %max3A_144 = arith.maximumf %add3A_142, %max3A_143 : vector<256x32xf32>
    %get3A_145 = arith.constant 0 : index
    %get3A_146 = arith.constant 0 : index
    %get3A_147 = vector.load %arg23[%get3A_145, %get3A_146] : memref<32x16xf32, #tpu.memory_space<vmem>>, vector<32x16xf32>
    %get3A_148 = arith.constant 0 : index
    %get3A_149 = arith.constant 0 : index
    %get3A_150 = vector.load %arg24[%get3A_148, %get3A_149] : memref<32x16xf32, #tpu.memory_space<vmem>>, vector<32x16xf32>
    %get3A_151 = arith.constant 0 : index
    %get3A_152 = arith.constant 0 : index
    %get3A_153 = vector.load %arg25[%get3A_151, %get3A_152] : memref<32x16xf32, #tpu.memory_space<vmem>>, vector<32x16xf32>
    %get3A_154 = arith.constant 0 : index
    %get3A_155 = arith.constant 0 : index
    %get3A_156 = vector.load %arg26[%get3A_154, %get3A_155] : memref<1x16xf32, #tpu.memory_space<vmem>>, vector<1x16xf32>
    %broadcast_in_dim3A_157 = arith.constant 0.000000e+00 : f32
    %broadcast_in_dim3A_158 = vector.broadcast %broadcast_in_dim3A_157 : f32 to vector<1x32xf32>
    %slice3A_159 = vector.extract_strided_slice %max3A_144 {offsets = [0, 0], sizes = [255, 32], strides = [1, 1]} : vector<256x32xf32> to vector<255x32xf32>
    %concatenate3A_160 = tpu.concatenate %broadcast_in_dim3A_158, %slice3A_159 in 0 : vector<1x32xf32>, vector<255x32xf32> -> vector<256x32xf32>
    %slice3A_161 = vector.extract_strided_slice %max3A_144 {offsets = [1, 0], sizes = [255, 32], strides = [1, 1]} : vector<256x32xf32> to vector<255x32xf32>
    %concatenate3A_162 = tpu.concatenate %slice3A_161, %broadcast_in_dim3A_158 in 0 : vector<255x32xf32>, vector<1x32xf32> -> vector<256x32xf32>
    %dot_general3A_163 = arith.constant dense<0.000000e+00> : vector<256x16xf32>
    %dot_general3A_164 = tpu.matmul %concatenate3A_160, %get3A_147, %dot_general3A_163 {dimension_numbers = #tpu.dot_dimension_numbers<[1], [0], [0], [1], [0, 0, 1, 1], [], []>, transpose_lhs_hint = false} : vector<256x32xf32>, vector<32x16xf32>, vector<256x16xf32> -> vector<256x16xf32>
    %dot_general3A_165 = arith.constant dense<0.000000e+00> : vector<256x16xf32>
    %dot_general3A_166 = tpu.matmul %max3A_144, %get3A_150, %dot_general3A_165 {dimension_numbers = #tpu.dot_dimension_numbers<[1], [0], [0], [1], [0, 0, 1, 1], [], []>, transpose_lhs_hint = false} : vector<256x32xf32>, vector<32x16xf32>, vector<256x16xf32> -> vector<256x16xf32>
    %add3A_167 = arith.addf %dot_general3A_164, %dot_general3A_166 : vector<256x16xf32>
    %dot_general3A_168 = arith.constant dense<0.000000e+00> : vector<256x16xf32>
    %dot_general3A_169 = tpu.matmul %concatenate3A_162, %get3A_153, %dot_general3A_168 {dimension_numbers = #tpu.dot_dimension_numbers<[1], [0], [0], [1], [0, 0, 1, 1], [], []>, transpose_lhs_hint = false} : vector<256x32xf32>, vector<32x16xf32>, vector<256x16xf32> -> vector<256x16xf32>
    %add3A_170 = arith.addf %add3A_167, %dot_general3A_169 : vector<256x16xf32>
    %add3A_171 = vector.broadcast %get3A_156 : vector<1x16xf32> to vector<256x16xf32>
    %add3A_172 = arith.addf %add3A_170, %add3A_171 : vector<256x16xf32>
    %max3A_173 = arith.constant 0.000000e+00 : f32
    %max3A_174 = vector.broadcast %max3A_173 : f32 to vector<256x16xf32>
    %max3A_175 = arith.maximumf %add3A_172, %max3A_174 : vector<256x16xf32>
    %get3A_176 = arith.constant 0 : index
    %get3A_177 = arith.constant 0 : index
    %get3A_178 = vector.load %arg27[%get3A_176, %get3A_177] : memref<16x96xf32, #tpu.memory_space<vmem>>, vector<16x96xf32>
    %get3A_179 = arith.constant 0 : index
    %get3A_180 = arith.constant 0 : index
    %get3A_181 = vector.load %arg28[%get3A_179, %get3A_180] : memref<16x96xf32, #tpu.memory_space<vmem>>, vector<16x96xf32>
    %get3A_182 = arith.constant 0 : index
    %get3A_183 = arith.constant 0 : index
    %get3A_184 = vector.load %arg29[%get3A_182, %get3A_183] : memref<16x96xf32, #tpu.memory_space<vmem>>, vector<16x96xf32>
    %get3A_185 = arith.constant 0 : index
    %get3A_186 = arith.constant 0 : index
    %get3A_187 = vector.load %arg30[%get3A_185, %get3A_186] : memref<1x96xf32, #tpu.memory_space<vmem>>, vector<1x96xf32>
    %broadcast_in_dim3A_188 = arith.constant 0.000000e+00 : f32
    %broadcast_in_dim3A_189 = vector.broadcast %broadcast_in_dim3A_188 : f32 to vector<1x16xf32>
    %slice3A_190 = vector.extract_strided_slice %max3A_175 {offsets = [0, 0], sizes = [255, 16], strides = [1, 1]} : vector<256x16xf32> to vector<255x16xf32>
    %concatenate3A_191 = tpu.concatenate %broadcast_in_dim3A_189, %slice3A_190 in 0 : vector<1x16xf32>, vector<255x16xf32> -> vector<256x16xf32>
    %slice3A_192 = vector.extract_strided_slice %max3A_175 {offsets = [1, 0], sizes = [255, 16], strides = [1, 1]} : vector<256x16xf32> to vector<255x16xf32>
    %concatenate3A_193 = tpu.concatenate %slice3A_192, %broadcast_in_dim3A_189 in 0 : vector<255x16xf32>, vector<1x16xf32> -> vector<256x16xf32>
    %dot_general3A_194 = arith.constant dense<0.000000e+00> : vector<256x96xf32>
    %dot_general3A_195 = tpu.matmul %concatenate3A_191, %get3A_178, %dot_general3A_194 {dimension_numbers = #tpu.dot_dimension_numbers<[1], [0], [0], [1], [0, 0, 1, 1], [], []>, transpose_lhs_hint = false} : vector<256x16xf32>, vector<16x96xf32>, vector<256x96xf32> -> vector<256x96xf32>
    %dot_general3A_196 = arith.constant dense<0.000000e+00> : vector<256x96xf32>
    %dot_general3A_197 = tpu.matmul %max3A_175, %get3A_181, %dot_general3A_196 {dimension_numbers = #tpu.dot_dimension_numbers<[1], [0], [0], [1], [0, 0, 1, 1], [], []>, transpose_lhs_hint = false} : vector<256x16xf32>, vector<16x96xf32>, vector<256x96xf32> -> vector<256x96xf32>
    %add3A_198 = arith.addf %dot_general3A_195, %dot_general3A_197 : vector<256x96xf32>
    %dot_general3A_199 = arith.constant dense<0.000000e+00> : vector<256x96xf32>
    %dot_general3A_200 = tpu.matmul %concatenate3A_193, %get3A_184, %dot_general3A_199 {dimension_numbers = #tpu.dot_dimension_numbers<[1], [0], [0], [1], [0, 0, 1, 1], [], []>, transpose_lhs_hint = false} : vector<256x16xf32>, vector<16x96xf32>, vector<256x96xf32> -> vector<256x96xf32>
    %add3A_201 = arith.addf %add3A_198, %dot_general3A_200 : vector<256x96xf32>
    %add3A_202 = vector.broadcast %get3A_187 : vector<1x96xf32> to vector<256x96xf32>
    %add3A_203 = arith.addf %add3A_201, %add3A_202 : vector<256x96xf32>
    %max3A_204 = arith.constant 0.000000e+00 : f32
    %max3A_205 = vector.broadcast %max3A_204 : f32 to vector<256x96xf32>
    %max3A_206 = arith.maximumf %add3A_203, %max3A_205 : vector<256x96xf32>
    %get3A_207 = arith.constant 0 : index
    %get3A_208 = arith.constant 0 : index
    %get3A_209 = vector.load %arg31[%get3A_207, %get3A_208] : memref<96x96xf32, #tpu.memory_space<vmem>>, vector<96x96xf32>
    %dot_general3A_210 = arith.constant dense<0.000000e+00> : vector<256x96xf32>
    %dot_general3A_211 = tpu.matmul %max3A_206, %get3A_209, %dot_general3A_210 {dimension_numbers = #tpu.dot_dimension_numbers<[1], [0], [0], [1], [0, 0, 1, 1], [], []>, transpose_lhs_hint = false} : vector<256x96xf32>, vector<96x96xf32>, vector<256x96xf32> -> vector<256x96xf32>
    %get3A_212 = arith.constant 0 : index
    %get3A_213 = arith.constant 0 : index
    %get3A_214 = vector.load %arg32[%get3A_212, %get3A_213] : memref<1x96xf32, #tpu.memory_space<vmem>>, vector<1x96xf32>
    %add3A_215 = vector.broadcast %get3A_214 : vector<1x96xf32> to vector<256x96xf32>
    %add3A_216 = arith.addf %dot_general3A_211, %add3A_215 : vector<256x96xf32>
    %swap3A = arith.constant 0 : index
    %swap3A_217 = arith.constant 0 : index
    %swap3A_218 = arith.constant 0 : index
    %swap3A_219 = vector.load %arg33[%swap3A, %swap3A_217, %swap3A_218] : memref<1x256x96xf32, #tpu.memory_space<vmem>>, vector<1x256x96xf32>
    %swap3A_220 = vector.shape_cast %swap3A_219 : vector<1x256x96xf32> to vector<256x96xf32>
    %swap3A_221 = vector.shape_cast %add3A_216 : vector<256x96xf32> to vector<1x256x96xf32>
    tpu.vector_store %arg33[%swap3A, %swap3A_217, %swap3A_218], %swap3A_221 {strides = array<i32>} : memref<1x256x96xf32, #tpu.memory_space<vmem>>, vector<1x256x96xf32>,
    return
  }
  func.func @transform_0(%arg0: i32, %arg1: memref<1024xi32, #tpu.memory_space<smem>>) -> (i32, i32) {
    %c0_i32 = arith.constant 0 : i32
    %c0_i32_0 = arith.constant 0 : i32
    %c0_i32_1 = arith.constant 0 : i32
    return %c0_i32, %c0_i32_0 : i32, i32
  }
  func.func @transform_1(%arg0: i32, %arg1: memref<1024xi32, #tpu.memory_space<smem>>) -> (i32, i32) {
    %c0_i32 = arith.constant 0 : i32
    %c0_i32_0 = arith.constant 0 : i32
    %c0_i32_1 = arith.constant 0 : i32
    return %c0_i32, %c0_i32_0 : i32, i32
  }
  func.func @transform_2(%arg0: i32, %arg1: memref<1024xi32, #tpu.memory_space<smem>>) -> (i32, i32) {
    %c0_i32 = arith.constant 0 : i32
    %c0_i32_0 = arith.constant 0 : i32
    %c0_i32_1 = arith.constant 0 : i32
    return %c0_i32, %c0_i32_0 : i32, i32
  }
  func.func @transform_3(%arg0: i32, %arg1: memref<1024xi32, #tpu.memory_space<smem>>) -> (i32, i32) {
    %c0_i32 = arith.constant 0 : i32
    %c0_i32_0 = arith.constant 0 : i32
    %c0_i32_1 = arith.constant 0 : i32
    return %c0_i32, %c0_i32_0 : i32, i32
  }
  func.func @transform_4(%arg0: i32, %arg1: memref<1024xi32, #tpu.memory_space<smem>>) -> (i32, i32) {
    %c0_i32 = arith.constant 0 : i32
    %c0_i32_0 = arith.constant 0 : i32
    %c0_i32_1 = arith.constant 0 : i32
    return %c0_i32, %c0_i32_0 : i32, i32
  }
  func.func @transform_5(%arg0: i32, %arg1: memref<1024xi32, #tpu.memory_space<smem>>) -> (i32, i32) {
    %c0_i32 = arith.constant 0 : i32
    %c0_i32_0 = arith.constant 0 : i32
    %c0_i32_1 = arith.constant 0 : i32
    return %c0_i32, %c0_i32_0 : i32, i32
  }
  func.func @transform_6(%arg0: i32, %arg1: memref<1024xi32, #tpu.memory_space<smem>>) -> (i32, i32) {
    %c0_i32 = arith.constant 0 : i32
    %c0_i32_0 = arith.constant 0 : i32
    %c0_i32_1 = arith.constant 0 : i32
    return %c0_i32, %c0_i32_0 : i32, i32
  }
  func.func @transform_7(%arg0: i32, %arg1: memref<1024xi32, #tpu.memory_space<smem>>) -> (i32, i32) {
    %c0_i32 = arith.constant 0 : i32
    %c0_i32_0 = arith.constant 0 : i32
    %c0_i32_1 = arith.constant 0 : i32
    return %c0_i32, %c0_i32_0 : i32, i32
  }
  func.func @transform_8(%arg0: i32, %arg1: memref<1024xi32, #tpu.memory_space<smem>>) -> (i32, i32) {
    %c0_i32 = arith.constant 0 : i32
    %c0_i32_0 = arith.constant 0 : i32
    %c0_i32_1 = arith.constant 0 : i32
    return %c0_i32, %c0_i32_0 : i32, i32
  }
  func.func @transform_9(%arg0: i32, %arg1: memref<1024xi32, #tpu.memory_space<smem>>) -> (i32, i32) {
    %c0_i32 = arith.constant 0 : i32
    %c0_i32_0 = arith.constant 0 : i32
    %c0_i32_1 = arith.constant 0 : i32
    return %c0_i32, %c0_i32_0 : i32, i32
  }
  func.func @transform_10(%arg0: i32, %arg1: memref<1024xi32, #tpu.memory_space<smem>>) -> (i32, i32) {
    %c0_i32 = arith.constant 0 : i32
    %c0_i32_0 = arith.constant 0 : i32
    %c0_i32_1 = arith.constant 0 : i32
    return %c0_i32, %c0_i32_0 : i32, i32
  }
  func.func @transform_11(%arg0: i32, %arg1: memref<1024xi32, #tpu.memory_space<smem>>) -> (i32, i32) {
    %c0_i32 = arith.constant 0 : i32
    %c0_i32_0 = arith.constant 0 : i32
    %c0_i32_1 = arith.constant 0 : i32
    return %c0_i32, %c0_i32_0 : i32, i32
  }
  func.func @transform_12(%arg0: i32, %arg1: memref<1024xi32, #tpu.memory_space<smem>>) -> (i32, i32) {
    %c0_i32 = arith.constant 0 : i32
    %c0_i32_0 = arith.constant 0 : i32
    %c0_i32_1 = arith.constant 0 : i32
    return %c0_i32, %c0_i32_0 : i32, i32
  }
  func.func @transform_13(%arg0: i32, %arg1: memref<1024xi32, #tpu.memory_space<smem>>) -> (i32, i32) {
    %c0_i32 = arith.constant 0 : i32
    %c0_i32_0 = arith.constant 0 : i32
    %c0_i32_1 = arith.constant 0 : i32
    return %c0_i32, %c0_i32_0 : i32, i32
  }
  func.func @transform_14(%arg0: i32, %arg1: memref<1024xi32, #tpu.memory_space<smem>>) -> (i32, i32) {
    %c0_i32 = arith.constant 0 : i32
    %c0_i32_0 = arith.constant 0 : i32
    %c0_i32_1 = arith.constant 0 : i32
    return %c0_i32, %c0_i32_0 : i32, i32
  }
  func.func @transform_15(%arg0: i32, %arg1: memref<1024xi32, #tpu.memory_space<smem>>) -> (i32, i32) {
    %c0_i32 = arith.constant 0 : i32
    %c0_i32_0 = arith.constant 0 : i32
    %c0_i32_1 = arith.constant 0 : i32
    return %c0_i32, %c0_i32_0 : i32, i32
  }
  func.func @transform_16(%arg0: i32, %arg1: memref<1024xi32, #tpu.memory_space<smem>>) -> (i32, i32) {
    %c0_i32 = arith.constant 0 : i32
    %c0_i32_0 = arith.constant 0 : i32
    %c0_i32_1 = arith.constant 0 : i32
    return %c0_i32, %c0_i32_0 : i32, i32
  }
  func.func @transform_17(%arg0: i32, %arg1: memref<1024xi32, #tpu.memory_space<smem>>) -> (i32, i32) {
    %c0_i32 = arith.constant 0 : i32
    %c0_i32_0 = arith.constant 0 : i32
    %c0_i32_1 = arith.constant 0 : i32
    return %c0_i32, %c0_i32_0 : i32, i32
  }
  func.func @transform_18(%arg0: i32, %arg1: memref<1024xi32, #tpu.memory_space<smem>>) -> (i32, i32) {
    %c0_i32 = arith.constant 0 : i32
    %c0_i32_0 = arith.constant 0 : i32
    %c0_i32_1 = arith.constant 0 : i32
    return %c0_i32, %c0_i32_0 : i32, i32
  }
  func.func @transform_19(%arg0: i32, %arg1: memref<1024xi32, #tpu.memory_space<smem>>) -> (i32, i32) {
    %c0_i32 = arith.constant 0 : i32
    %c0_i32_0 = arith.constant 0 : i32
    %c0_i32_1 = arith.constant 0 : i32
    return %c0_i32, %c0_i32_0 : i32, i32
  }
  func.func @transform_20(%arg0: i32, %arg1: memref<1024xi32, #tpu.memory_space<smem>>) -> (i32, i32) {
    %c0_i32 = arith.constant 0 : i32
    %c0_i32_0 = arith.constant 0 : i32
    %c0_i32_1 = arith.constant 0 : i32
    return %c0_i32, %c0_i32_0 : i32, i32
  }
  func.func @transform_21(%arg0: i32, %arg1: memref<1024xi32, #tpu.memory_space<smem>>) -> (i32, i32) {
    %c0_i32 = arith.constant 0 : i32
    %c0_i32_0 = arith.constant 0 : i32
    %c0_i32_1 = arith.constant 0 : i32
    return %c0_i32, %c0_i32_0 : i32, i32
  }
  func.func @transform_22(%arg0: i32, %arg1: memref<1024xi32, #tpu.memory_space<smem>>) -> (i32, i32) {
    %c0_i32 = arith.constant 0 : i32
    %c0_i32_0 = arith.constant 0 : i32
    %c0_i32_1 = arith.constant 0 : i32
    return %c0_i32, %c0_i32_0 : i32, i32
  }
  func.func @transform_23(%arg0: i32, %arg1: memref<1024xi32, #tpu.memory_space<smem>>) -> (i32, i32) {
    %c0_i32 = arith.constant 0 : i32
    %c0_i32_0 = arith.constant 0 : i32
    %c0_i32_1 = arith.constant 0 : i32
    return %c0_i32, %c0_i32_0 : i32, i32
  }
  func.func @transform_24(%arg0: i32, %arg1: memref<1024xi32, #tpu.memory_space<smem>>) -> (i32, i32) {
    %c0_i32 = arith.constant 0 : i32
    %c0_i32_0 = arith.constant 0 : i32
    %c0_i32_1 = arith.constant 0 : i32
    return %c0_i32, %c0_i32_0 : i32, i32
  }
  func.func @transform_25(%arg0: i32, %arg1: memref<1024xi32, #tpu.memory_space<smem>>) -> (i32, i32) {
    %c0_i32 = arith.constant 0 : i32
    %c0_i32_0 = arith.constant 0 : i32
    %c0_i32_1 = arith.constant 0 : i32
    return %c0_i32, %c0_i32_0 : i32, i32
  }
  func.func @transform_26(%arg0: i32, %arg1: memref<1024xi32, #tpu.memory_space<smem>>) -> (i32, i32) {
    %c0_i32 = arith.constant 0 : i32
    %c0_i32_0 = arith.constant 0 : i32
    %c0_i32_1 = arith.constant 0 : i32
    return %c0_i32, %c0_i32_0 : i32, i32
  }
  func.func @transform_27(%arg0: i32, %arg1: memref<1024xi32, #tpu.memory_space<smem>>) -> (i32, i32) {
    %c0_i32 = arith.constant 0 : i32
    %c0_i32_0 = arith.constant 0 : i32
    %c0_i32_1 = arith.constant 0 : i32
    return %c0_i32, %c0_i32_0 : i32, i32
  }
  func.func @transform_28(%arg0: i32, %arg1: memref<1024xi32, #tpu.memory_space<smem>>) -> (i32, i32) {
    %c0_i32 = arith.constant 0 : i32
    %c0_i32_0 = arith.constant 0 : i32
    %c0_i32_1 = arith.constant 0 : i32
    return %c0_i32, %c0_i32_0 : i32, i32
  }
  func.func @transform_29(%arg0: i32, %arg1: memref<1024xi32, #tpu.memory_space<smem>>) -> (i32, i32) {
    %c0_i32 = arith.constant 0 : i32
    %c0_i32_0 = arith.constant 0 : i32
    %c0_i32_1 = arith.constant 0 : i32
    return %c0_i32, %c0_i32_0 : i32, i32
  }
  func.func @transform_30(%arg0: i32, %arg1: memref<1024xi32, #tpu.memory_space<smem>>) -> (i32, i32) {
    %c0_i32 = arith.constant 0 : i32
    %c0_i32_0 = arith.constant 0 : i32
    %c0_i32_1 = arith.constant 0 : i32
    return %c0_i32, %c0_i32_0 : i32, i32
  }
  func.func @transform_31(%arg0: i32, %arg1: memref<1024xi32, #tpu.memory_space<smem>>) -> (i32, i32, i32) {
    %c0_i32 = arith.constant 0 : i32
    %c0_i32_0 = arith.constant 0 : i32
    %c0_i32_1 = arith.constant 0 : i32
    return %arg0, %c0_i32, %c0_i32_0 : i32, i32, i32
  }
}

</mosaic_0001>

<sc_bundles>
// kernel: kernel.5.cloned.1.call-start
scs
__scs_entry_jumppad:
0x0: {  	(pc) =	sbr.rel $0x88, $3  }
0x1: {  	(tag) =	ssettag $0x0;
	lr =	simm.s32 $0x1  }
0x2: {  	[smem:$0x3F70] =	sst lr;
	_ =	strace $0xD0000000  }
0x3: {  	_ = 	snop  }
0x4: {  	_ = 	snop  }
0x5: {  	_ = 	snop  }
0x6: {  	_ = 	snop  }
0x7: {  	_ = 	snop  }
__scs_overlays_trampoline_lowered:
0x8: {  	[smem:$0x3F7F] =	sst s0  }
0x9: {  	[smem:$0x3F80] =	sst s1  }
0xa: {  	[smem:$0x3F81] =	sst s2  }
0xb: {  	[smem:$0x3F82] =	sst s3  }
0xc: {  	[smem:$0x3F83] =	sst s4  }
0xd: {  	[smem:$0x3F84] =	sst s5  }
0xe: {  	[smem:$0x3F85] =	sst s6  }
0xf: {  	[smem:$0x3F86] =	sst s7  }
0x10: {  	[smem:$0x3F87] =	sst s8  }
0x11: {  	[smem:$0x3F88] =	sst s9;
	s0 =	simm.s32 @!p0 $0x0  }
0x12: {  	s1 =	sld [smem:$0x3F6E];
	s0 =	simm.s32 @p0 $0x1  }
0x13: {  	[smem:$0x3F89] =	sst s0;
	s0 =	simm.s32 @!p1 $0x0  }
0x14: {  	s2 =	sld [smem:$0x3F6D];
	s0 =	simm.s32 @p1 $0x1  }
0x15: {  	[smem:$0x3F8A] =	sst s0;
	s0 =	simm.s32 @!p2 $0x0  }
0x16: {  	s3 =	sld [smem:$0x3FDB];
	s0 =	simm.s32 @p2 $0x1  }
0x17: {  	s4 =	simm.s32 $0x1BF5;
	[smem:$0x3F8C] =	sst s0  }
0x18: {  	s0 =	sld [smem:$0x3F6F];
	_ =	swait.ge [sflag:s4], $0x0  }
0x19: {  	s7 =	sld [smem:$0x3F70]  }
0x1a: {  	s8 =	sadd.s32 $0xFFFFE003, lr  }
0x1b: {  	s9 =	sadd.s32 $0xFFFFFEF7, lr;
	s5 =	simm.s32 $0xFFFFFFFF;
	p2 =	slt.u32 s8, $0xFFFFF086  }
0x1c: {  	p1 =	slt.u32 s9, $0xF7A;
	s5 =	simm.s32 @!p2 $0x0  }
0x1d: {  	s5 =	simm.s32 @p1 $0x1;
	p0 =	seq.s32 s7, s2  }
0x1e: {  	s7 =	smul.u32 @!p0 $0xF7A, s2;
	p2 =	seq.s32 @!p0 s5, $0x0  }
0x1f: {  	s9 =	smul.u32 $0xF7A, s1;
	s8 =	simm.s32 @!p0 $0x1BF5;
	p2 =	por !p2, p0  }
0x20: {  	[sflag:s8] =	ssyncset.s32 @!p0 $0xFFFFF086;
	s6 =	sadd.s32 @!p0 s3, s7;
	s7 =	simm.s32 @!p0 $0x108  }
0x21: {  	s3 =	sadd.s32 s3, s9;
	s6 =	sadd.s32 @!p0 $0x88, s6;
	s7 =	simm.s32 @p2 $0x1082  }
0x22: {  	[simem:s7], [sflag:s8] =	dma.local @!p0 [hbm:s6], $0xF7A  }
0x23: {  	s9 =	sor.u32 $0xD0000000, s2;
	s6 =	simm.s32 $0x108;
	_ =	swait.ge @!p0 [sflag:s8], $0x0  }
0x24: {  	s3 =	sadd.s32 $0x88, s3;
	s6 =	simm.s32 @!p1 $0x1082;
	[sflag:s4] =	ssyncset.s32 $0xFFFFF086  }
0x25: {  	[simem:s6], [sflag:s4] =	dma.local [hbm:s3], $0xF7A  }
0x26: {  	[smem:$0x3F70] =	sst s1;
	(tag) =	ssettag s2;
	_ =	strace s9  }
0x27: {  	s1 =	sld [smem:$0x3F80]  }
0x28: {  	s2 =	sld [smem:$0x3F81]  }
0x29: {  	s4 =	sld [smem:$0x3F83]  }
0x2a: {  	p0 =	seq.s32 s5, $0x0;
	s5 =	sld [smem:$0x3F84]  }
0x2b: {  	s6 =	sld [smem:$0x3F85]  }
0x2c: {  	s7 =	sld [smem:$0x3F86]  }
0x2d: {  	s3 =	simm.s32 $0x108;
	s8 =	sld [smem:$0x3F87]  }
0x2e: {  	s3 =	simm.s32 @!p0 $0x1082;
	s9 =	sld [smem:$0x3F88]  }
0x2f: {  	lr =	sadd.s32 s0, s3;
	s0 =	sld [smem:$0x3F7F]  }
0x30: {  	s3 =	sld [smem:$0x3F82]  }
0x31: {  	[smem:$0x3F8B] =	sst s10  }
0x32: {  	s10 =	sld [smem:$0x3F89];
	_ =	sdelay $0x3  }
0x33: {  	p0 =	seq.s32 s10, $0x1;
	s10 =	sld [smem:$0x3F8B];
	_ =	sdelay $0x3  }
0x34: {  	[smem:$0x3F8B] =	sst s10  }
0x35: {  	s10 =	sld [smem:$0x3F8A];
	_ =	sdelay $0x3  }
0x36: {  	p1 =	seq.s32 s10, $0x1;
	s10 =	sld [smem:$0x3F8B];
	_ =	sdelay $0x3  }
0x37: {  	[smem:$0x3F8B] =	sst s10  }
0x38: {  	s10 =	sld [smem:$0x3F8C]  }
0x39: {  	_ = 	snop;
	(pc) =	sbr.ind lr, $3  }
0x3a: {  	_ = 	snop  }
0x3b: {  	_ = 	snop  }
0x3c: {  	p2 =	seq.s32 s10, $0x1;
	s10 =	sld [smem:$0x3F8B]  }
0x3d: {  	_ =	shalt  }
0x3e: {  	_ =	shalt  }
0x3f: {  	_ =	shalt  }
0x40: {  	_ =	shalt  }
0x41: {  	_ =	shalt  }
0x42: {  	_ =	shalt  }
0x43: {  	_ =	shalt  }
0x44: {  	_ =	shalt  }
0x45: {  	_ =	shalt  }
0x46: {  	_ =	shalt  }
0x47: {  	_ =	shalt  }
0x48: {  	_ =	shalt  }
0x49: {  	_ =	shalt  }
0x4a: {  	_ =	shalt  }
0x4b: {  	_ =	shalt  }
0x4c: {  	_ =	shalt  }
0x4d: {  	_ =	shalt  }
0x4e: {  	_ =	shalt  }
0x4f: {  	_ =	shalt  }
0x50: {  	_ =	shalt  }
0x51: {  	_ =	shalt  }
0x52: {  	_ =	shalt  }
0x53: {  	_ =	shalt  }
0x54: {  	_ =	shalt  }
0x55: {  	_ =	shalt  }
0x56: {  	_ =	shalt  }
0x57: {  	_ =	shalt  }
0x58: {  	_ =	shalt  }
0x59: {  	_ =	shalt  }
0x5a: {  	_ =	shalt  }
0x5b: {  	_ =	shalt  }
0x5c: {  	_ =	shalt  }
0x5d: {  	_ =	shalt  }
0x5e: {  	_ =	shalt  }
0x5f: {  	_ =	shalt  }
0x60: {  	_ =	shalt  }
0x61: {  	_ =	shalt  }
0x62: {  	_ =	shalt  }
0x63: {  	_ =	shalt  }
0x64: {  	_ =	shalt  }
0x65: {  	_ =	shalt  }
0x66: {  	_ =	shalt  }
0x67: {  	_ =	shalt  }
0x68: {  	_ =	shalt  }
0x69: {  	_ =	shalt  }
0x6a: {  	_ =	shalt  }
0x6b: {  	_ =	shalt  }
0x6c: {  	_ =	shalt  }
0x6d: {  	_ =	shalt  }
0x6e: {  	_ =	shalt  }
0x6f: {  	_ =	shalt  }
0x70: {  	_ =	shalt  }
0x71: {  	_ =	shalt  }
0x72: {  	_ =	shalt  }
0x73: {  	_ =	shalt  }
0x74: {  	_ =	shalt  }
0x75: {  	_ =	shalt  }
0x76: {  	_ =	shalt  }
0x77: {  	_ =	shalt  }
0x78: {  	_ =	shalt  }
0x79: {  	_ =	shalt  }
0x7a: {  	_ =	shalt  }
0x7b: {  	_ =	shalt  }
0x7c: {  	_ =	shalt  }
0x7d: {  	_ =	shalt  }
0x7e: {  	_ =	shalt  }
0x7f: {  	_ =	shalt  }
0x80: {  	_ =	shalt  }
0x81: {  	_ =	shalt  }
0x82: {  	_ =	shalt  }
0x83: {  	_ =	shalt  }
0x84: {  	_ =	shalt  }
0x85: {  	_ =	shalt  }
0x86: {  	_ =	shalt  }
0x87: {  	_ =	shalt  }
.Lfunc_end0:
.L_simem_size_0:
called_computation_lowered:
.L_overlay_start_0:
0x88: {  	s2 =	sld [smem:$0x3FD9]  }
0x89: {  	s3 =	sld [smem:$0x3FFE];
	_ =	sdelay $0x1  }
0x8a: {  	s1 =	srdreg.scid  }
0x8b: {  	s0 =	sand.u32 $0x1, s1  }
0x8c: {  	s14 =	sshll.u32 s0, $0xA;
	s2 =	sadd.s32 s3, s2  }
0x8d: {  	s2 =	sadd.s32 s2, s14  }
0x8e: {  	[smem:$0x3F97] =	sst s2  }
0x8f: {  	_ = 	snop  }
0x90: {  	s2 =	sld [smem:$0x3FD0];
	_ =	sdelay $0x2  }
0x91: {  	s15 =	simm.s32 $0xA;
	s4 =	simm.s32 $0x10  }
0x92: {  	[smem:s4], [sflag:s15] =	dma.local [hbm:s2], $0x1  }
0x93: {  	_ =	swait.eq [sflag:s15], $0x1  }
0x94: {  	[sflag:s15] =	ssyncset.done $0x0  }
0x95: {  	[sflag:s15] =	ssyncadd.s32 $0xFFFFFFFF  }
0x96: {  	s16 =	sld [smem:$0x12];
	(tm) =	ssettm $0x1  }
0x97: {  	s17 =	sld [smem:$0x3FFB];
	_ =	sdelay $0x3  }
0x98: {  	_ =	strace s17  }
0x99: {  	s3 =	sld [smem:$0x3FFC];
	_ =	sdelay $0x3  }
0x9a: {  	_ =	strace s3  }
0x9b: {  	s3 =	sld [smem:$0x3FFD];
	_ =	sdelay $0x3  }
0x9c: {  	_ =	strace s3  }
0x9d: {  	_ =	strace $0x8FFFFFFF  }
0x9e: {  	s18 =	sld [smem:$0x3FDB];
	_ =	sdelay $0x1  }
0x9f: {  	s19 =	simm.s32 $_scs_section_size  }
0xa0: {  	s5 =	simm.s32 $_size__tile_overlayer_lowered;
	s6 =	simm.s32 $_tile_overlayer_lowered  }
0xa1: {  	s22 =	simm.s32 $0x1BFF;
	s21 =	sshll.u32 s6, $0x1;
	s3 =	sadd.s32 s19, s18  }
0xa2: {  	s7 =	simm.s32 $0x0;
	s20 =	sshll.u32 s5, $0x1;
	s5 =	sadd.s32 s21, s3  }
0xa3: {  	[timem:s7], [sflag:s22] =	dma.local [hbm:s5], s20  }
0xa4: {  	_ =	swait.ge [sflag:s22], s20  }
0xa5: {  	s4 =	ssub.s32 $0x0, s20;
	[sflag:s22] =	ssyncset.done $0x0  }
0xa6: {  	[sflag:s22] =	ssyncadd.s32 s4;
	_ =	sdelay $0x1  }
0xa7: {  	s23 =	simm.s32 $0x1B8B  }
0xa8: {  	_ =	swait.ge [sflag:s23], $0x1  }
0xa9: {  	[sflag:s23] =	ssyncset.done $0x0  }
0xaa: {  	s25 =	simm.s32 $0x1B8E;
	s24 =	sld [smem:$0x3FFE];
	[sflag:s23] =	ssyncadd.s32 $0xFFFFFFFF  }
0xab: {  	s26 =	simm.s32 $execute0_lowered;
	[smem:$0x3FD2] =	sst s25  }
0xac: {  	s5 =	sshll.u32 s26, $0x1;
	_ =	strace $0x80000046;
	[dreg:$0x1] =	wrdreg $0xFFFFFFFF  }
0xad: {  	s28 =	simm.s32 $_size_execute0_lowered;
	s3 =	sadd.s32 s3, s5;
	[dreg:$0x0] =	wrdreg $0x0  }
0xae: {  	s5 =	sshll.u32 s28, $0x1;
	[dreg:$0x2] =	wrdreg s3  }
0xaf: {  	[dreg:$0x3] =	wrdreg s5  }
0xb0: {  	[dreg:$0x4] =	wrdreg $0xC0  }
0xb1: {  	_ =	task [dreg:s7], $0x5FFFF  }
0xb2: {  	[dreg:$0x1] =	wrdreg $0xFFFFFFFF  }
0xb3: {  	[dreg:$0x0] =	wrdreg $0x60  }
0xb4: {  	[dreg:$0x2] =	wrdreg s24  }
0xb5: {  	[dreg:$0x3] =	wrdreg s16  }
0xb6: {  	[dreg:$0x4] =	wrdreg $0x9  }
0xb7: {  	_ =	task.clear_ibuf [dreg:s7], $0x5FFFF;
	_ =	strace $0x90000046  }
0xb8: {  	s29 =	simm.s32 $0x9;
	_ =	strace $0x80000048  }
0xb9: {  	_ =	swait.ge [sflag:s29], $0x1  }
0xba: {  	[sflag:s29] =	ssyncadd.s32 $0xFFFFFFFF  }
0xbb: {  	_ =	strace $0x90000048  }
0xbc: {  	_ =	sfence  }
0xbd: {  	s30 =	sld [smem:$0x0];
	_ =	sdelay $0x2  }
0xbe: {  	s31 =	sshll.u32 s1, $0xD;
	s1 =	sshrl.u32 s1, $0x2  }
0xbf: {  	s3 =	sand.u32 $0x4000, s31;
	s1 =	sadd.s32 s1, s30  }
0xc0: {  	s0 =	sor.u32 s3, s0;
	s1 =	sshll.u32 s1, $0x11  }
0xc1: {  	s0 =	sor.u32 s1, s0  }
0xc2: {  	s0 =	sadd.s32 $0x8F2B, s0  }
0xc3: {  	[sflag:s0] =	ssyncadd.remote.s32 $0x1  }
0xc4: {  	_ =	sfence.sel $0xFFFF  }
0xc5: {  	[dreg:$0x0] =	wrdreg $0xFFFFFFFF;
	(pc) =	sbr.abs _section_cstart, $3  }
0xc6: {  	[dreg:$0x1] =	wrdreg $0xFFFFFFFF  }
0xc7: {  	_ =	task.clear_ibuf [dreg:s7], $0x2FFFF;
	_ =	strace $0x9FFFFFFF  }
0xc8: {  	(tm) =	ssettm $0x7FFFFFFF  }
0xc9: {  	_ =	shalt  }
tec
execute0_lowered:
.L_overlay_start_1:
0x0: {  	(tag) =	ssettag $0x1  }
0x1: {  	s1 =	srdreg.scid;
	s9 =	rddreg [dreg:$0x0]  }
0x2: {  	s0 =	stileid.u32;
	s3 =	rddreg [dreg:$0x1]  }
0x3: {  	s2 =	simm.s32 $0x0;
	s7 =	simm.s32 $0x80;
	s6 =	sand.u32 $0x1, s1  }
0x4: {  	s4 =	sshll.u32 s0, $0x6;
	s1 =	rddreg [dreg:$0x2];
	s5 =	sshll.u32 s6, $0x5  }
0x5: {  	s8 =	simm.s32 $0x1;
	[smem:$0x7FF] =	sst s2;
	s10 =	sor.u32 s5, s4  }
0x6: {  	_ =	strace $0x80000047;
	s11 =	ssub.s32 $0x2, s6;
	s4 =	sshrl.u32 s10, $0x3  }
0x7: {  	s6 =	simm.s32 $0x20;
	s4 =	sadd.s32 s3, s4;
	s3 =	simm.s32 $0x2  }
0x8: {  	[tilespmem:s2], [sflag:$0x2] =	stream.linear.gather [hbm4b:s4+s2], $0x20, $0x38;
	[tilespmem:$0x1080] =	vst v63  }
0x9: {  	s5 =	sadd.s32 $0x6A00, s9;
	s12 =	sshrl.u32 s11, $0x1;
	_ =	swait.ge [sflag:s3], $0x20  }
0xa: {  	s10 =	sshll.u32 s10, $0x4;
	s31 =	ssub.s32 s11, s12;
	[sflag:s3] =	ssyncset.done $0x0  }
0xb: {  	s9 =	sadd.s32 s10, s9;
	s10 =	smax.u32 s31, $0x1;
	[sflag:s3] =	ssyncadd.s32 $0xFFFFFFE0  }
0xc: {  	[tilespmem:s7], [sflag:$0x1] =	stream.indirect.gather [hbm4b:s5+s6], $0x80, s2, s6, $0xb8;
	[tilespmem:$0x1080] =	vst v63  }
0xd: {  	p0 =	sne.s32 s10, $0x1;
	_ =	swait.ge [sflag:s8], $0x1000  }
.Ltmp0:
0xe: {  	[sflag:s8] =	ssyncset.done $0x0;
	(pc) =	sbr.rel @!p0 .LBB2_2-.Ltmp0, $4  }
0xf: {  	s9 =	sadd.s32 $0x26A00, s9;
	[sflag:s8] =	ssyncadd.s32 $0xFFFFF000  }
0x10: {  	[hbm4b:s9+s2] =	stream.linear.scatter [tilespmem:s7], [sflag:$0x2], $0x1000, $0x38;
	[tilespmem:$0x1080] =	vst v63  }
0x11: {  	_ =	swait.ge [sflag:s3], $0x1000  }
0x12: {  	s10 =	sadd.s32 $0xFFFFFFFF, s10;
	[sflag:s3] =	ssyncset.done $0x0  }
.LBB2_1:
0x13: {  	p0 =	sne.s32 s10, $0x1;
	s10 =	sadd.s32 $0xFFFFFFFF, s10;
	[sflag:s3] =	ssyncadd.s32 $0xFFFFF000  }
0x14: {  	[tilespmem:s2], [sflag:$0x2] =	stream.linear.gather [hbm4b:s4+s2], $0x20, $0x38;
	[tilespmem:$0x1080] =	vst v63  }
0x15: {  	_ =	swait.ge [sflag:s3], $0x20  }
0x16: {  	[sflag:s3] =	ssyncset.done $0x0  }
0x17: {  	[sflag:s3] =	ssyncadd.s32 $0xFFFFFFE0  }
0x18: {  	[tilespmem:s7], [sflag:$0x1] =	stream.indirect.gather [hbm4b:s5+s6], $0x80, s2, s6, $0xb8;
	[tilespmem:$0x1080] =	vst v63  }
0x19: {  	_ =	swait.ge [sflag:s8], $0x1000  }
.Ltmp1:
0x1a: {  	[sflag:s8] =	ssyncset.done $0x0;
	(pc) =	sbr.rel @p0 .LBB2_1-.Ltmp1, $4  }
0x1b: {  	[sflag:s8] =	ssyncadd.s32 $0xFFFFF000  }
0x1c: {  	[hbm4b:s9+s2] =	stream.linear.scatter [tilespmem:s7], [sflag:$0x2], $0x1000, $0x38;
	[tilespmem:$0x1080] =	vst v63  }
0x1d: {  	_ =	swait.ge [sflag:s3], $0x1000  }
0x1e: {  	[sflag:s3] =	ssyncset.done $0x0  }
.LBB2_2:
0x1f: {  	[sflag:s3] =	ssyncadd.s32 $0xFFFFF000  }
0x20: {  	_ =	sfence.sel $0x180000  }
0x21: {  	[bflag:$0x0] =	sbarrier.arrive $0xFFFF  }
0x22: {  	p0 =	sne.s32 s0, $0x0;
	_ =	strace $0x90000047  }
0x23: {  	s0 =	sadd.s32 @!p0 $0x100000, s1;
	[bflag:$0x2] =	sbarrier.arrive $0xFFFF  }
0x24: {  	[sflag:s0] =	ssyncadd.tile.s32 @!p0 $0x1;
	_ =	shalt  }
.Lfunc_end2:
_tile_overlayer_lowered:
.L_overlay_start_2:
0x25: {  	(tag) =	ssettag $0x2  }
0x26: {  	s0 =	rddreg [dreg:$0x0];
	s2 =	stileid.u32  }
0x27: {  	s1 =	rddreg [dreg:$0x1];
	p0 =	sne.s32 s2, $0x0  }
0x28: {  	s3 =	rddreg [dreg:$0x2];
	[bflag:$0x3] =	sbarrier.arrive $0xFFFF;
	s2 =	simm.s32 @!p0 $0x1C02  }
0x29: {  	[timem:s3], [sflag:s2] =	dma.local @!p0 [hbm:s0], s1  }
0x2a: {  	s0 =	simm.s32 @!p0 $0x2  }
0x2b: {  	_ =	swait.ge @!p0 [sflag:s0], s1  }
0x2c: {  	s1 =	ssub.s32 @!p0 $0x0, s1;
	[sflag:s0] =	ssyncset.done @!p0 $0x0  }
0x2d: {  	[sflag:s0] =	ssyncadd.s32 @!p0 s1  }
0x2e: {  	[bflag:$0x3] =	sbarrier.arrive $0xFFFF  }
0x2f: {  	_ =	shalt  }

</sc_bundles>
